<compile_context>
chip_gen: v7x
topology: tpu7x:2x2x1
jax: 0.10.2.dev20260603
libtpu: 0.0.44.dev20260713+nightly
codegen_flags: <defaults>
</compile_context>

<pallas_src>
import functools

import jax
import jax.numpy as jnp
from jax import lax
from jax.experimental import pallas as pl
from jax.experimental.pallas import tpu as pltpu
from jax.experimental.pallas import tpu_sc as plsc

B = 16384
DIM = 64
NUM_ROWS = 1000000
NUM_CORES = 2
NUM_SUBCORES = 16
NW = NUM_CORES * NUM_SUBCORES
RPW = B // NW
LANES = 16
GROUPS = RPW // LANES


def _body(u_hbm, i_hbm, j_hbm, uf_hbm, if_hbm, bias_hbm, out_hbm,
          ui, ii, ji, uv, iv, jv, bi, bj, ov, sem):
    wid = lax.axis_index("s") * NUM_CORES + lax.axis_index("c")
    base = wid * RPW

    pltpu.sync_copy(u_hbm.at[pl.ds(base, RPW)], ui)
    pltpu.sync_copy(i_hbm.at[pl.ds(base, RPW)], ii)
    pltpu.sync_copy(j_hbm.at[pl.ds(base, RPW)], ji)

    c4 = pltpu.async_copy(bias_hbm.at[ii], bi, sem)
    c5 = pltpu.async_copy(bias_hbm.at[ji], bj, sem)

    dimv = jnp.full((LANES,), DIM, jnp.int32)

    def fire(g, carry):
        gb = g * LANES
        uo = ui[pl.ds(gb, LANES)] * dimv
        io = ii[pl.ds(gb, LANES)] * dimv
        jo = ji[pl.ds(gb, LANES)] * dimv
        for l in range(LANES):
            dst = pl.ds((gb + l) * DIM, DIM)
            uol = pl.multiple_of(uo[l], DIM)
            iol = pl.multiple_of(io[l], DIM)
            jol = pl.multiple_of(jo[l], DIM)
            pltpu.async_copy(uf_hbm.at[pl.ds(uol, DIM)], uv.at[dst], sem)
            pltpu.async_copy(if_hbm.at[pl.ds(iol, DIM)], iv.at[dst], sem)
            pltpu.async_copy(if_hbm.at[pl.ds(jol, DIM)], jv.at[dst], sem)
        return carry

    lax.fori_loop(0, GROUPS, fire, 0)

    pltpu.make_async_copy(uf_hbm.at[pl.ds(0, RPW * DIM)], uv, sem).wait()
    pltpu.make_async_copy(uf_hbm.at[pl.ds(0, RPW * DIM)], iv, sem).wait()
    pltpu.make_async_copy(uf_hbm.at[pl.ds(0, RPW * DIM)], jv, sem).wait()
    c4.wait()
    c5.wait()

    lanes = lax.iota(jnp.int32, LANES)

    def group(g, carry):
        rb = g * LANES
        flat_base = lax.mul(lanes + rb, jnp.full((LANES,), DIM, jnp.int32))
        acc = bi[pl.ds(rb, LANES)] - bj[pl.ds(rb, LANES)]

        def dstep(d, a):
            fidx = flat_base + jnp.full((LANES,), d, jnp.int32)
            uu = plsc.load_gather(uv, [fidx])
            xi = plsc.load_gather(iv, [fidx])
            xj = plsc.load_gather(jv, [fidx])
            return a + uu * (xi - xj)

        acc = lax.fori_loop(0, DIM, dstep, acc, unroll=8)
        ov[pl.ds(rb, LANES)] = acc
        return carry

    lax.fori_loop(0, GROUPS, group, 0)
    pltpu.sync_copy(ov, out_hbm.at[pl.ds(base, RPW)])


@functools.partial(jax.jit, static_argnames=())
def kernel(u, i, j, user_factors, item_factors, item_biases):
    mesh = plsc.VectorSubcoreMesh(core_axis_name="c", subcore_axis_name="s")
    k = functools.partial(
        pl.kernel,
        mesh=mesh,
        compiler_params=pltpu.CompilerParams(needs_layout_passes=False),
        out_type=jax.ShapeDtypeStruct((B,), jnp.float32),
        scratch_types=[
            pltpu.VMEM((RPW,), jnp.int32),
            pltpu.VMEM((RPW,), jnp.int32),
            pltpu.VMEM((RPW,), jnp.int32),
            pltpu.VMEM((RPW * DIM,), jnp.float32),
            pltpu.VMEM((RPW * DIM,), jnp.float32),
            pltpu.VMEM((RPW * DIM,), jnp.float32),
            pltpu.VMEM((RPW,), jnp.float32),
            pltpu.VMEM((RPW,), jnp.float32),
            pltpu.VMEM((RPW,), jnp.float32),
            pltpu.SemaphoreType.DMA,
        ],
    )(_body)
    uf1 = user_factors.reshape(-1)
    if1 = item_factors.reshape(-1)
    bias_flat = item_biases.reshape(-1)
    return k(u, i, j, uf1, if1, bias_flat)

# --- scband reference (transcript-rebuilt; emitter-appended) ---
"""Pipeline reference for scband-dlce-82738249990703 (READ-ONLY COPY).

The authoritative reference and input builder live on the scoring server;
editing this copy changes nothing except your own understanding.
"""

import jax, jax.numpy as jnp
import numpy as np

B = 16384
NUM_USERS = 1000000
NUM_ITEMS = 1000000
DIM = 64


def setup_inputs(seed: int = 0) -> dict:
    key = jax.random.key(seed)
    k1, k2, k3, k4, k5, k6 = jax.random.split(key, 6)
    u = jax.random.randint(k1, (B,), 0, NUM_USERS, dtype=jnp.int64 if jax.config.jax_enable_x64 else jnp.int32).astype(jnp.int32)
    i = jax.random.randint(k2, (B,), 0, NUM_ITEMS, dtype=jnp.int32)
    j = jax.random.randint(k3, (B,), 0, NUM_ITEMS, dtype=jnp.int32)
    user_factors = jax.random.normal(k4, (NUM_USERS, DIM), dtype=jnp.float32) * 0.01
    item_factors = jax.random.normal(k5, (NUM_ITEMS, DIM), dtype=jnp.float32) * 0.01
    item_biases = jax.random.normal(k6, (NUM_ITEMS, 1), dtype=jnp.float32) * 0.01
    return {
        "u": u,
        "i": i,
        "j": j,
        "user_factors": user_factors,
        "item_factors": item_factors,
        "item_biases": item_biases,
    }


def reference(u, i, j, user_factors, item_factors, item_biases):
    # Faithful translation of DLCE.forward (with_bias=True)
    user_vec = jnp.take(user_factors, u, axis=0)
    item_i_vec = jnp.take(item_factors, i, axis=0)
    item_j_vec = jnp.take(item_factors, j, axis=0)
    s_uij = jnp.sum(user_vec * (item_i_vec - item_j_vec), axis=1)
    bias_i = jnp.take(item_biases, i, axis=0).squeeze(-1)
    bias_j = jnp.take(item_biases, j, axis=0).squeeze(-1)
    s_uij = s_uij + (bias_i - bias_j)
    return s_uij

if __name__ == "__main__":
    import jax
    _d = setup_inputs()
    print(jax.jit(kernel)(*tuple(_d.values())))

</pallas_src>

<mosaic_0001>
#map = affine_map<(d0, d1) -> (0)>
module attributes {stable_mosaic.version = 14 : i64} {
  func.func @_body(%arg0: i32, %arg1: i32, %arg2: memref<16384xi32, #tpu.memory_space<hbm>>, %arg3: memref<16384xi32, #tpu.memory_space<hbm>>, %arg4: memref<16384xi32, #tpu.memory_space<hbm>>, %arg5: memref<64000000xf32, #tpu.memory_space<hbm>>, %arg6: memref<64000000xf32, #tpu.memory_space<hbm>>, %arg7: memref<1000000xf32, #tpu.memory_space<hbm>>, %arg8: memref<16384xf32, #tpu.memory_space<hbm>>, %arg9: memref<512xi32, #tpu.memory_space<vmem>>, %arg10: memref<512xi32, #tpu.memory_space<vmem>>, %arg11: memref<512xi32, #tpu.memory_space<vmem>>, %arg12: memref<32768xf32, #tpu.memory_space<vmem>>, %arg13: memref<32768xf32, #tpu.memory_space<vmem>>, %arg14: memref<32768xf32, #tpu.memory_space<vmem>>, %arg15: memref<512xf32, #tpu.memory_space<vmem>>, %arg16: memref<512xf32, #tpu.memory_space<vmem>>, %arg17: memref<512xf32, #tpu.memory_space<vmem>>, %arg18: memref<!tpu.dma_semaphore, #tpu.memory_space<semaphore_mem>>) attributes {dimension_semantics = [#tpu.dimension_semantics<core_parallel>, #tpu.dimension_semantics<subcore_parallel>], iteration_bounds = array<i64: 2, 16>, scalar_prefetch = 0 : i64, scratch_operands = 10 : i64, tpu.core_type = #tpu.core_type<sc_vector_subcore>, window_params = [{transform_indices = #map}, {transform_indices = #map}, {transform_indices = #map}, {transform_indices = #map}, {transform_indices = #map}, {transform_indices = #map}, {transform_indices = #map}]} {
    %mul3A = arith.constant 2 : i32
    %mul3A_0 = arith.muli %arg1, %mul3A : i32
    %add3A = arith.addi %mul3A_0, %arg0 : i32
    %mul3A_1 = arith.constant 512 : i32
    %mul3A_2 = arith.muli %add3A, %mul3A_1 : i32
    "tpu.region"() ({
      %run_scoped3A = tpu.sem_alloc : memref<!tpu.dma_semaphore, #tpu.memory_space<semaphore_mem>>
      %dma_start3A_33 = tpu.memref_slice %arg2[%mul3A_2] : memref<16384xi32, #tpu.memory_space<hbm>> -> memref<512xi32, #tpu.memory_space<hbm>>
      %dma_start3A_34 = tpu.memref_slice %arg2[%mul3A_2] : memref<16384xi32, #tpu.memory_space<hbm>> -> memref<512xi32, #tpu.memory_space<hbm>>
      tpu.enqueue_dma source(%dma_start3A_34 : memref<512xi32, #tpu.memory_space<hbm>>) target(%arg9 : memref<512xi32, #tpu.memory_space<vmem>>) target_semaphore(%run_scoped3A : memref<!tpu.dma_semaphore, #tpu.memory_space<semaphore_mem>>)
      %dma_wait3A_35 = tpu.memref_slice %arg2[%mul3A_2] : memref<16384xi32, #tpu.memory_space<hbm>> -> memref<512xi32, #tpu.memory_space<hbm>>
      %dma_wait3A_36 = tpu.memref_slice %arg2[%mul3A_2] : memref<16384xi32, #tpu.memory_space<hbm>> -> memref<512xi32, #tpu.memory_space<hbm>>
      tpu.wait_dma2 semaphore(%run_scoped3A : memref<!tpu.dma_semaphore, #tpu.memory_space<semaphore_mem>>) src(%dma_wait3A_36 : memref<512xi32, #tpu.memory_space<hbm>>) dst(%arg9 : memref<512xi32, #tpu.memory_space<vmem>>)
      tpu.yield
    }) : () -> ()
    "tpu.region"() ({
      %run_scoped3A = tpu.sem_alloc : memref<!tpu.dma_semaphore, #tpu.memory_space<semaphore_mem>>
      %dma_start3A_33 = tpu.memref_slice %arg3[%mul3A_2] : memref<16384xi32, #tpu.memory_space<hbm>> -> memref<512xi32, #tpu.memory_space<hbm>>
      %dma_start3A_34 = tpu.memref_slice %arg3[%mul3A_2] : memref<16384xi32, #tpu.memory_space<hbm>> -> memref<512xi32, #tpu.memory_space<hbm>>
      tpu.enqueue_dma source(%dma_start3A_34 : memref<512xi32, #tpu.memory_space<hbm>>) target(%arg10 : memref<512xi32, #tpu.memory_space<vmem>>) target_semaphore(%run_scoped3A : memref<!tpu.dma_semaphore, #tpu.memory_space<semaphore_mem>>)
      %dma_wait3A_35 = tpu.memref_slice %arg3[%mul3A_2] : memref<16384xi32, #tpu.memory_space<hbm>> -> memref<512xi32, #tpu.memory_space<hbm>>
      %dma_wait3A_36 = tpu.memref_slice %arg3[%mul3A_2] : memref<16384xi32, #tpu.memory_space<hbm>> -> memref<512xi32, #tpu.memory_space<hbm>>
      tpu.wait_dma2 semaphore(%run_scoped3A : memref<!tpu.dma_semaphore, #tpu.memory_space<semaphore_mem>>) src(%dma_wait3A_36 : memref<512xi32, #tpu.memory_space<hbm>>) dst(%arg10 : memref<512xi32, #tpu.memory_space<vmem>>)
      tpu.yield
    }) : () -> ()
    "tpu.region"() ({
      %run_scoped3A = tpu.sem_alloc : memref<!tpu.dma_semaphore, #tpu.memory_space<semaphore_mem>>
      %dma_start3A_33 = tpu.memref_slice %arg4[%mul3A_2] : memref<16384xi32, #tpu.memory_space<hbm>> -> memref<512xi32, #tpu.memory_space<hbm>>
      %dma_start3A_34 = tpu.memref_slice %arg4[%mul3A_2] : memref<16384xi32, #tpu.memory_space<hbm>> -> memref<512xi32, #tpu.memory_space<hbm>>
      tpu.enqueue_dma source(%dma_start3A_34 : memref<512xi32, #tpu.memory_space<hbm>>) target(%arg11 : memref<512xi32, #tpu.memory_space<vmem>>) target_semaphore(%run_scoped3A : memref<!tpu.dma_semaphore, #tpu.memory_space<semaphore_mem>>)
      %dma_wait3A_35 = tpu.memref_slice %arg4[%mul3A_2] : memref<16384xi32, #tpu.memory_space<hbm>> -> memref<512xi32, #tpu.memory_space<hbm>>
      %dma_wait3A_36 = tpu.memref_slice %arg4[%mul3A_2] : memref<16384xi32, #tpu.memory_space<hbm>> -> memref<512xi32, #tpu.memory_space<hbm>>
      tpu.wait_dma2 semaphore(%run_scoped3A : memref<!tpu.dma_semaphore, #tpu.memory_space<semaphore_mem>>) src(%dma_wait3A_36 : memref<512xi32, #tpu.memory_space<hbm>>) dst(%arg11 : memref<512xi32, #tpu.memory_space<vmem>>)
      tpu.yield
    }) : () -> ()
    %dma_start3A = arith.constant 0 : i32
    %dma_start3A_3 = tpu.memref_slice %arg7[%dma_start3A] : memref<1000000xf32, #tpu.memory_space<hbm>> -> memref<1000000xf32, #tpu.memory_space<hbm>>
    tpu.enqueue_indirect_dma source(%dma_start3A_3 : memref<1000000xf32, #tpu.memory_space<hbm>>) target(%arg15 : memref<512xf32, #tpu.memory_space<vmem>>) offsets(%arg10 : memref<512xi32, #tpu.memory_space<vmem>>) semaphore(%arg18 : memref<!tpu.dma_semaphore, #tpu.memory_space<semaphore_mem>>)
    %dma_start3A_4 = arith.constant 0 : i32
    %dma_start3A_5 = tpu.memref_slice %arg7[%dma_start3A_4] : memref<1000000xf32, #tpu.memory_space<hbm>> -> memref<1000000xf32, #tpu.memory_space<hbm>>
    tpu.enqueue_indirect_dma source(%dma_start3A_5 : memref<1000000xf32, #tpu.memory_space<hbm>>) target(%arg16 : memref<512xf32, #tpu.memory_space<vmem>>) offsets(%arg11 : memref<512xi32, #tpu.memory_space<vmem>>) semaphore(%arg18 : memref<!tpu.dma_semaphore, #tpu.memory_space<semaphore_mem>>)
    %broadcast_in_dim3A = arith.constant 64 : i32
    %broadcast_in_dim3A_6 = vector.broadcast %broadcast_in_dim3A : i32 to vector<16xi32>
    %scan3A = arith.constant 0 : i32
    %scan3A_7 = arith.constant 0 : i32
    %scan3A_8 = arith.constant 32 : i32
    %scan3A_9 = arith.addi %scan3A_7, %scan3A_8 : i32
    %scan3A_10 = arith.constant 1 : i32
    scf.for %scan3A_33 = %scan3A_7 to %scan3A_9 step %scan3A_10  : i32 {
      %mul3A_34 = arith.constant 16 : i32
      %mul3A_35 = arith.muli %scan3A_33, %mul3A_34 : i32
      %get3A = arith.index_cast %mul3A_35 : i32 to index
      %get3A_36 = tpu.vector_load %arg9[%get3A] {strides = array<i32>} : memref<512xi32, #tpu.memory_space<vmem>>, vector<16xi32>,
      %mul3A_37 = arith.muli %get3A_36, %broadcast_in_dim3A_6 : vector<16xi32>
      %get3A_38 = arith.index_cast %mul3A_35 : i32 to index
      %get3A_39 = tpu.vector_load %arg10[%get3A_38] {strides = array<i32>} : memref<512xi32, #tpu.memory_space<vmem>>, vector<16xi32>,
      %mul3A_40 = arith.muli %get3A_39, %broadcast_in_dim3A_6 : vector<16xi32>
      %get3A_41 = arith.index_cast %mul3A_35 : i32 to index
      %get3A_42 = tpu.vector_load %arg11[%get3A_41] {strides = array<i32>} : memref<512xi32, #tpu.memory_space<vmem>>, vector<16xi32>,
      %mul3A_43 = arith.muli %get3A_42, %broadcast_in_dim3A_6 : vector<16xi32>
      %add3A_44 = arith.constant 0 : i32
      %add3A_45 = arith.addi %mul3A_35, %add3A_44 : i32
      %mul3A_46 = arith.constant 64 : i32
      %mul3A_47 = arith.muli %add3A_45, %mul3A_46 : i32
      %slice3A = vector.extract_strided_slice %mul3A_37 {offsets = [0], sizes = [1], strides = [1]} : vector<16xi32> to vector<1xi32>
      %squeeze3A = vector.extract %slice3A[0] : i32 from vector<1xi32>
      %multiple_of3A = tpu.assume_multiple %squeeze3A, 64 : i32
      %slice3A_48 = vector.extract_strided_slice %mul3A_40 {offsets = [0], sizes = [1], strides = [1]} : vector<16xi32> to vector<1xi32>
      %squeeze3A_49 = vector.extract %slice3A_48[0] : i32 from vector<1xi32>
      %multiple_of3A_50 = tpu.assume_multiple %squeeze3A_49, 64 : i32
      %slice3A_51 = vector.extract_strided_slice %mul3A_43 {offsets = [0], sizes = [1], strides = [1]} : vector<16xi32> to vector<1xi32>
      %squeeze3A_52 = vector.extract %slice3A_51[0] : i32 from vector<1xi32>
      %multiple_of3A_53 = tpu.assume_multiple %squeeze3A_52, 64 : i32
      %dma_start3A_54 = tpu.memref_slice %arg12[%mul3A_47] : memref<32768xf32, #tpu.memory_space<vmem>> -> memref<64xf32, #tpu.memory_space<vmem>>
      %dma_start3A_55 = tpu.memref_slice %arg5[%multiple_of3A] : memref<64000000xf32, #tpu.memory_space<hbm>> -> memref<64xf32, #tpu.memory_space<hbm>>
      %dma_start3A_56 = tpu.memref_slice %arg12[%mul3A_47] : memref<32768xf32, #tpu.memory_space<vmem>> -> memref<64xf32, #tpu.memory_space<vmem>>
      %dma_start3A_57 = tpu.memref_slice %arg5[%multiple_of3A] : memref<64000000xf32, #tpu.memory_space<hbm>> -> memref<64xf32, #tpu.memory_space<hbm>>
      tpu.enqueue_dma source(%dma_start3A_57 : memref<64xf32, #tpu.memory_space<hbm>>) target(%dma_start3A_56 : memref<64xf32, #tpu.memory_space<vmem>>) target_semaphore(%arg18 : memref<!tpu.dma_semaphore, #tpu.memory_space<semaphore_mem>>)
      %dma_start3A_58 = tpu.memref_slice %arg13[%mul3A_47] : memref<32768xf32, #tpu.memory_space<vmem>> -> memref<64xf32, #tpu.memory_space<vmem>>
      %dma_start3A_59 = tpu.memref_slice %arg6[%multiple_of3A_50] : memref<64000000xf32, #tpu.memory_space<hbm>> -> memref<64xf32, #tpu.memory_space<hbm>>
      %dma_start3A_60 = tpu.memref_slice %arg13[%mul3A_47] : memref<32768xf32, #tpu.memory_space<vmem>> -> memref<64xf32, #tpu.memory_space<vmem>>
      %dma_start3A_61 = tpu.memref_slice %arg6[%multiple_of3A_50] : memref<64000000xf32, #tpu.memory_space<hbm>> -> memref<64xf32, #tpu.memory_space<hbm>>
      tpu.enqueue_dma source(%dma_start3A_61 : memref<64xf32, #tpu.memory_space<hbm>>) target(%dma_start3A_60 : memref<64xf32, #tpu.memory_space<vmem>>) target_semaphore(%arg18 : memref<!tpu.dma_semaphore, #tpu.memory_space<semaphore_mem>>)
      %dma_start3A_62 = tpu.memref_slice %arg14[%mul3A_47] : memref<32768xf32, #tpu.memory_space<vmem>> -> memref<64xf32, #tpu.memory_space<vmem>>
      %dma_start3A_63 = tpu.memref_slice %arg6[%multiple_of3A_53] : memref<64000000xf32, #tpu.memory_space<hbm>> -> memref<64xf32, #tpu.memory_space<hbm>>
      %dma_start3A_64 = tpu.memref_slice %arg14[%mul3A_47] : memref<32768xf32, #tpu.memory_space<vmem>> -> memref<64xf32, #tpu.memory_space<vmem>>
      %dma_start3A_65 = tpu.memref_slice %arg6[%multiple_of3A_53] : memref<64000000xf32, #tpu.memory_space<hbm>> -> memref<64xf32, #tpu.memory_space<hbm>>
      tpu.enqueue_dma source(%dma_start3A_65 : memref<64xf32, #tpu.memory_space<hbm>>) target(%dma_start3A_64 : memref<64xf32, #tpu.memory_space<vmem>>) target_semaphore(%arg18 : memref<!tpu.dma_semaphore, #tpu.memory_space<semaphore_mem>>)
      %add3A_66 = arith.constant 1 : i32
      %add3A_67 = arith.addi %mul3A_35, %add3A_66 : i32
      %mul3A_68 = arith.constant 64 : i32
      %mul3A_69 = arith.muli %add3A_67, %mul3A_68 : i32
      %slice3A_70 = vector.extract_strided_slice %mul3A_37 {offsets = [1], sizes = [1], strides = [1]} : vector<16xi32> to vector<1xi32>
      %squeeze3A_71 = vector.extract %slice3A_70[0] : i32 from vector<1xi32>
      %multiple_of3A_72 = tpu.assume_multiple %squeeze3A_71, 64 : i32
      %slice3A_73 = vector.extract_strided_slice %mul3A_40 {offsets = [1], sizes = [1], strides = [1]} : vector<16xi32> to vector<1xi32>
      %squeeze3A_74 = vector.extract %slice3A_73[0] : i32 from vector<1xi32>
      %multiple_of3A_75 = tpu.assume_multiple %squeeze3A_74, 64 : i32
      %slice3A_76 = vector.extract_strided_slice %mul3A_43 {offsets = [1], sizes = [1], strides = [1]} : vector<16xi32> to vector<1xi32>
      %squeeze3A_77 = vector.extract %slice3A_76[0] : i32 from vector<1xi32>
      %multiple_of3A_78 = tpu.assume_multiple %squeeze3A_77, 64 : i32
      %dma_start3A_79 = tpu.memref_slice %arg12[%mul3A_69] : memref<32768xf32, #tpu.memory_space<vmem>> -> memref<64xf32, #tpu.memory_space<vmem>>
      %dma_start3A_80 = tpu.memref_slice %arg5[%multiple_of3A_72] : memref<64000000xf32, #tpu.memory_space<hbm>> -> memref<64xf32, #tpu.memory_space<hbm>>
      %dma_start3A_81 = tpu.memref_slice %arg12[%mul3A_69] : memref<32768xf32, #tpu.memory_space<vmem>> -> memref<64xf32, #tpu.memory_space<vmem>>
      %dma_start3A_82 = tpu.memref_slice %arg5[%multiple_of3A_72] : memref<64000000xf32, #tpu.memory_space<hbm>> -> memref<64xf32, #tpu.memory_space<hbm>>
      tpu.enqueue_dma source(%dma_start3A_82 : memref<64xf32, #tpu.memory_space<hbm>>) target(%dma_start3A_81 : memref<64xf32, #tpu.memory_space<vmem>>) target_semaphore(%arg18 : memref<!tpu.dma_semaphore, #tpu.memory_space<semaphore_mem>>)
      %dma_start3A_83 = tpu.memref_slice %arg13[%mul3A_69] : memref<32768xf32, #tpu.memory_space<vmem>> -> memref<64xf32, #tpu.memory_space<vmem>>
      %dma_start3A_84 = tpu.memref_slice %arg6[%multiple_of3A_75] : memref<64000000xf32, #tpu.memory_space<hbm>> -> memref<64xf32, #tpu.memory_space<hbm>>
      %dma_start3A_85 = tpu.memref_slice %arg13[%mul3A_69] : memref<32768xf32, #tpu.memory_space<vmem>> -> memref<64xf32, #tpu.memory_space<vmem>>
      %dma_start3A_86 = tpu.memref_slice %arg6[%multiple_of3A_75] : memref<64000000xf32, #tpu.memory_space<hbm>> -> memref<64xf32, #tpu.memory_space<hbm>>
      tpu.enqueue_dma source(%dma_start3A_86 : memref<64xf32, #tpu.memory_space<hbm>>) target(%dma_start3A_85 : memref<64xf32, #tpu.memory_space<vmem>>) target_semaphore(%arg18 : memref<!tpu.dma_semaphore, #tpu.memory_space<semaphore_mem>>)
      %dma_start3A_87 = tpu.memref_slice %arg14[%mul3A_69] : memref<32768xf32, #tpu.memory_space<vmem>> -> memref<64xf32, #tpu.memory_space<vmem>>
      %dma_start3A_88 = tpu.memref_slice %arg6[%multiple_of3A_78] : memref<64000000xf32, #tpu.memory_space<hbm>> -> memref<64xf32, #tpu.memory_space<hbm>>
      %dma_start3A_89 = tpu.memref_slice %arg14[%mul3A_69] : memref<32768xf32, #tpu.memory_space<vmem>> -> memref<64xf32, #tpu.memory_space<vmem>>
      %dma_start3A_90 = tpu.memref_slice %arg6[%multiple_of3A_78] : memref<64000000xf32, #tpu.memory_space<hbm>> -> memref<64xf32, #tpu.memory_space<hbm>>
      tpu.enqueue_dma source(%dma_start3A_90 : memref<64xf32, #tpu.memory_space<hbm>>) target(%dma_start3A_89 : memref<64xf32, #tpu.memory_space<vmem>>) target_semaphore(%arg18 : memref<!tpu.dma_semaphore, #tpu.memory_space<semaphore_mem>>)
      %add3A_91 = arith.constant 2 : i32
      %add3A_92 = arith.addi %mul3A_35, %add3A_91 : i32
      %mul3A_93 = arith.constant 64 : i32
      %mul3A_94 = arith.muli %add3A_92, %mul3A_93 : i32
      %slice3A_95 = vector.extract_strided_slice %mul3A_37 {offsets = [2], sizes = [1], strides = [1]} : vector<16xi32> to vector<1xi32>
      %squeeze3A_96 = vector.extract %slice3A_95[0] : i32 from vector<1xi32>
      %multiple_of3A_97 = tpu.assume_multiple %squeeze3A_96, 64 : i32
      %slice3A_98 = vector.extract_strided_slice %mul3A_40 {offsets = [2], sizes = [1], strides = [1]} : vector<16xi32> to vector<1xi32>
      %squeeze3A_99 = vector.extract %slice3A_98[0] : i32 from vector<1xi32>
      %multiple_of3A_100 = tpu.assume_multiple %squeeze3A_99, 64 : i32
      %slice3A_101 = vector.extract_strided_slice %mul3A_43 {offsets = [2], sizes = [1], strides = [1]} : vector<16xi32> to vector<1xi32>
      %squeeze3A_102 = vector.extract %slice3A_101[0] : i32 from vector<1xi32>
      %multiple_of3A_103 = tpu.assume_multiple %squeeze3A_102, 64 : i32
      %dma_start3A_104 = tpu.memref_slice %arg12[%mul3A_94] : memref<32768xf32, #tpu.memory_space<vmem>> -> memref<64xf32, #tpu.memory_space<vmem>>
      %dma_start3A_105 = tpu.memref_slice %arg5[%multiple_of3A_97] : memref<64000000xf32, #tpu.memory_space<hbm>> -> memref<64xf32, #tpu.memory_space<hbm>>
      %dma_start3A_106 = tpu.memref_slice %arg12[%mul3A_94] : memref<32768xf32, #tpu.memory_space<vmem>> -> memref<64xf32, #tpu.memory_space<vmem>>
      %dma_start3A_107 = tpu.memref_slice %arg5[%multiple_of3A_97] : memref<64000000xf32, #tpu.memory_space<hbm>> -> memref<64xf32, #tpu.memory_space<hbm>>
      tpu.enqueue_dma source(%dma_start3A_107 : memref<64xf32, #tpu.memory_space<hbm>>) target(%dma_start3A_106 : memref<64xf32, #tpu.memory_space<vmem>>) target_semaphore(%arg18 : memref<!tpu.dma_semaphore, #tpu.memory_space<semaphore_mem>>)
      %dma_start3A_108 = tpu.memref_slice %arg13[%mul3A_94] : memref<32768xf32, #tpu.memory_space<vmem>> -> memref<64xf32, #tpu.memory_space<vmem>>
      %dma_start3A_109 = tpu.memref_slice %arg6[%multiple_of3A_100] : memref<64000000xf32, #tpu.memory_space<hbm>> -> memref<64xf32, #tpu.memory_space<hbm>>
      %dma_start3A_110 = tpu.memref_slice %arg13[%mul3A_94] : memref<32768xf32, #tpu.memory_space<vmem>> -> memref<64xf32, #tpu.memory_space<vmem>>
      %dma_start3A_111 = tpu.memref_slice %arg6[%multiple_of3A_100] : memref<64000000xf32, #tpu.memory_space<hbm>> -> memref<64xf32, #tpu.memory_space<hbm>>
      tpu.enqueue_dma source(%dma_start3A_111 : memref<64xf32, #tpu.memory_space<hbm>>) target(%dma_start3A_110 : memref<64xf32, #tpu.memory_space<vmem>>) target_semaphore(%arg18 : memref<!tpu.dma_semaphore, #tpu.memory_space<semaphore_mem>>)
      %dma_start3A_112 = tpu.memref_slice %arg14[%mul3A_94] : memref<32768xf32, #tpu.memory_space<vmem>> -> memref<64xf32, #tpu.memory_space<vmem>>
      %dma_start3A_113 = tpu.memref_slice %arg6[%multiple_of3A_103] : memref<64000000xf32, #tpu.memory_space<hbm>> -> memref<64xf32, #tpu.memory_space<hbm>>
      %dma_start3A_114 = tpu.memref_slice %arg14[%mul3A_94] : memref<32768xf32, #tpu.memory_space<vmem>> -> memref<64xf32, #tpu.memory_space<vmem>>
      %dma_start3A_115 = tpu.memref_slice %arg6[%multiple_of3A_103] : memref<64000000xf32, #tpu.memory_space<hbm>> -> memref<64xf32, #tpu.memory_space<hbm>>
      tpu.enqueue_dma source(%dma_start3A_115 : memref<64xf32, #tpu.memory_space<hbm>>) target(%dma_start3A_114 : memref<64xf32, #tpu.memory_space<vmem>>) target_semaphore(%arg18 : memref<!tpu.dma_semaphore, #tpu.memory_space<semaphore_mem>>)
      %add3A_116 = arith.constant 3 : i32
      %add3A_117 = arith.addi %mul3A_35, %add3A_116 : i32
      %mul3A_118 = arith.constant 64 : i32
      %mul3A_119 = arith.muli %add3A_117, %mul3A_118 : i32
      %slice3A_120 = vector.extract_strided_slice %mul3A_37 {offsets = [3], sizes = [1], strides = [1]} : vector<16xi32> to vector<1xi32>
      %squeeze3A_121 = vector.extract %slice3A_120[0] : i32 from vector<1xi32>
      %multiple_of3A_122 = tpu.assume_multiple %squeeze3A_121, 64 : i32
      %slice3A_123 = vector.extract_strided_slice %mul3A_40 {offsets = [3], sizes = [1], strides = [1]} : vector<16xi32> to vector<1xi32>
      %squeeze3A_124 = vector.extract %slice3A_123[0] : i32 from vector<1xi32>
      %multiple_of3A_125 = tpu.assume_multiple %squeeze3A_124, 64 : i32
      %slice3A_126 = vector.extract_strided_slice %mul3A_43 {offsets = [3], sizes = [1], strides = [1]} : vector<16xi32> to vector<1xi32>
      %squeeze3A_127 = vector.extract %slice3A_126[0] : i32 from vector<1xi32>
      %multiple_of3A_128 = tpu.assume_multiple %squeeze3A_127, 64 : i32
      %dma_start3A_129 = tpu.memref_slice %arg12[%mul3A_119] : memref<32768xf32, #tpu.memory_space<vmem>> -> memref<64xf32, #tpu.memory_space<vmem>>
      %dma_start3A_130 = tpu.memref_slice %arg5[%multiple_of3A_122] : memref<64000000xf32, #tpu.memory_space<hbm>> -> memref<64xf32, #tpu.memory_space<hbm>>
      %dma_start3A_131 = tpu.memref_slice %arg12[%mul3A_119] : memref<32768xf32, #tpu.memory_space<vmem>> -> memref<64xf32, #tpu.memory_space<vmem>>
      %dma_start3A_132 = tpu.memref_slice %arg5[%multiple_of3A_122] : memref<64000000xf32, #tpu.memory_space<hbm>> -> memref<64xf32, #tpu.memory_space<hbm>>
      tpu.enqueue_dma source(%dma_start3A_132 : memref<64xf32, #tpu.memory_space<hbm>>) target(%dma_start3A_131 : memref<64xf32, #tpu.memory_space<vmem>>) target_semaphore(%arg18 : memref<!tpu.dma_semaphore, #tpu.memory_space<semaphore_mem>>)
      %dma_start3A_133 = tpu.memref_slice %arg13[%mul3A_119] : memref<32768xf32, #tpu.memory_space<vmem>> -> memref<64xf32, #tpu.memory_space<vmem>>
      %dma_start3A_134 = tpu.memref_slice %arg6[%multiple_of3A_125] : memref<64000000xf32, #tpu.memory_space<hbm>> -> memref<64xf32, #tpu.memory_space<hbm>>
      %dma_start3A_135 = tpu.memref_slice %arg13[%mul3A_119] : memref<32768xf32, #tpu.memory_space<vmem>> -> memref<64xf32, #tpu.memory_space<vmem>>
      %dma_start3A_136 = tpu.memref_slice %arg6[%multiple_of3A_125] : memref<64000000xf32, #tpu.memory_space<hbm>> -> memref<64xf32, #tpu.memory_space<hbm>>
      tpu.enqueue_dma source(%dma_start3A_136 : memref<64xf32, #tpu.memory_space<hbm>>) target(%dma_start3A_135 : memref<64xf32, #tpu.memory_space<vmem>>) target_semaphore(%arg18 : memref<!tpu.dma_semaphore, #tpu.memory_space<semaphore_mem>>)
      %dma_start3A_137 = tpu.memref_slice %arg14[%mul3A_119] : memref<32768xf32, #tpu.memory_space<vmem>> -> memref<64xf32, #tpu.memory_space<vmem>>
      %dma_start3A_138 = tpu.memref_slice %arg6[%multiple_of3A_128] : memref<64000000xf32, #tpu.memory_space<hbm>> -> memref<64xf32, #tpu.memory_space<hbm>>
      %dma_start3A_139 = tpu.memref_slice %arg14[%mul3A_119] : memref<32768xf32, #tpu.memory_space<vmem>> -> memref<64xf32, #tpu.memory_space<vmem>>
      %dma_start3A_140 = tpu.memref_slice %arg6[%multiple_of3A_128] : memref<64000000xf32, #tpu.memory_space<hbm>> -> memref<64xf32, #tpu.memory_space<hbm>>
      tpu.enqueue_dma source(%dma_start3A_140 : memref<64xf32, #tpu.memory_space<hbm>>) target(%dma_start3A_139 : memref<64xf32, #tpu.memory_space<vmem>>) target_semaphore(%arg18 : memref<!tpu.dma_semaphore, #tpu.memory_space<semaphore_mem>>)
      %add3A_141 = arith.constant 4 : i32
      %add3A_142 = arith.addi %mul3A_35, %add3A_141 : i32
      %mul3A_143 = arith.constant 64 : i32
      %mul3A_144 = arith.muli %add3A_142, %mul3A_143 : i32
      %slice3A_145 = vector.extract_strided_slice %mul3A_37 {offsets = [4], sizes = [1], strides = [1]} : vector<16xi32> to vector<1xi32>
      %squeeze3A_146 = vector.extract %slice3A_145[0] : i32 from vector<1xi32>
      %multiple_of3A_147 = tpu.assume_multiple %squeeze3A_146, 64 : i32
      %slice3A_148 = vector.extract_strided_slice %mul3A_40 {offsets = [4], sizes = [1], strides = [1]} : vector<16xi32> to vector<1xi32>
      %squeeze3A_149 = vector.extract %slice3A_148[0] : i32 from vector<1xi32>
      %multiple_of3A_150 = tpu.assume_multiple %squeeze3A_149, 64 : i32
      %slice3A_151 = vector.extract_strided_slice %mul3A_43 {offsets = [4], sizes = [1], strides = [1]} : vector<16xi32> to vector<1xi32>
      %squeeze3A_152 = vector.extract %slice3A_151[0] : i32 from vector<1xi32>
      %multiple_of3A_153 = tpu.assume_multiple %squeeze3A_152, 64 : i32
      %dma_start3A_154 = tpu.memref_slice %arg12[%mul3A_144] : memref<32768xf32, #tpu.memory_space<vmem>> -> memref<64xf32, #tpu.memory_space<vmem>>
      %dma_start3A_155 = tpu.memref_slice %arg5[%multiple_of3A_147] : memref<64000000xf32, #tpu.memory_space<hbm>> -> memref<64xf32, #tpu.memory_space<hbm>>
      %dma_start3A_156 = tpu.memref_slice %arg12[%mul3A_144] : memref<32768xf32, #tpu.memory_space<vmem>> -> memref<64xf32, #tpu.memory_space<vmem>>
      %dma_start3A_157 = tpu.memref_slice %arg5[%multiple_of3A_147] : memref<64000000xf32, #tpu.memory_space<hbm>> -> memref<64xf32, #tpu.memory_space<hbm>>
      tpu.enqueue_dma source(%dma_start3A_157 : memref<64xf32, #tpu.memory_space<hbm>>) target(%dma_start3A_156 : memref<64xf32, #tpu.memory_space<vmem>>) target_semaphore(%arg18 : memref<!tpu.dma_semaphore, #tpu.memory_space<semaphore_mem>>)
      %dma_start3A_158 = tpu.memref_slice %arg13[%mul3A_144] : memref<32768xf32, #tpu.memory_space<vmem>> -> memref<64xf32, #tpu.memory_space<vmem>>
      %dma_start3A_159 = tpu.memref_slice %arg6[%multiple_of3A_150] : memref<64000000xf32, #tpu.memory_space<hbm>> -> memref<64xf32, #tpu.memory_space<hbm>>
      %dma_start3A_160 = tpu.memref_slice %arg13[%mul3A_144] : memref<32768xf32, #tpu.memory_space<vmem>> -> memref<64xf32, #tpu.memory_space<vmem>>
      %dma_start3A_161 = tpu.memref_slice %arg6[%multiple_of3A_150] : memref<64000000xf32, #tpu.memory_space<hbm>> -> memref<64xf32, #tpu.memory_space<hbm>>
      tpu.enqueue_dma source(%dma_start3A_161 : memref<64xf32, #tpu.memory_space<hbm>>) target(%dma_start3A_160 : memref<64xf32, #tpu.memory_space<vmem>>) target_semaphore(%arg18 : memref<!tpu.dma_semaphore, #tpu.memory_space<semaphore_mem>>)
      %dma_start3A_162 = tpu.memref_slice %arg14[%mul3A_144] : memref<32768xf32, #tpu.memory_space<vmem>> -> memref<64xf32, #tpu.memory_space<vmem>>
      %dma_start3A_163 = tpu.memref_slice %arg6[%multiple_of3A_153] : memref<64000000xf32, #tpu.memory_space<hbm>> -> memref<64xf32, #tpu.memory_space<hbm>>
      %dma_start3A_164 = tpu.memref_slice %arg14[%mul3A_144] : memref<32768xf32, #tpu.memory_space<vmem>> -> memref<64xf32, #tpu.memory_space<vmem>>
      %dma_start3A_165 = tpu.memref_slice %arg6[%multiple_of3A_153] : memref<64000000xf32, #tpu.memory_space<hbm>> -> memref<64xf32, #tpu.memory_space<hbm>>
      tpu.enqueue_dma source(%dma_start3A_165 : memref<64xf32, #tpu.memory_space<hbm>>) target(%dma_start3A_164 : memref<64xf32, #tpu.memory_space<vmem>>) target_semaphore(%arg18 : memref<!tpu.dma_semaphore, #tpu.memory_space<semaphore_mem>>)
      %add3A_166 = arith.constant 5 : i32
      %add3A_167 = arith.addi %mul3A_35, %add3A_166 : i32
      %mul3A_168 = arith.constant 64 : i32
      %mul3A_169 = arith.muli %add3A_167, %mul3A_168 : i32
      %slice3A_170 = vector.extract_strided_slice %mul3A_37 {offsets = [5], sizes = [1], strides = [1]} : vector<16xi32> to vector<1xi32>
      %squeeze3A_171 = vector.extract %slice3A_170[0] : i32 from vector<1xi32>
      %multiple_of3A_172 = tpu.assume_multiple %squeeze3A_171, 64 : i32
      %slice3A_173 = vector.extract_strided_slice %mul3A_40 {offsets = [5], sizes = [1], strides = [1]} : vector<16xi32> to vector<1xi32>
      %squeeze3A_174 = vector.extract %slice3A_173[0] : i32 from vector<1xi32>
      %multiple_of3A_175 = tpu.assume_multiple %squeeze3A_174, 64 : i32
      %slice3A_176 = vector.extract_strided_slice %mul3A_43 {offsets = [5], sizes = [1], strides = [1]} : vector<16xi32> to vector<1xi32>
      %squeeze3A_177 = vector.extract %slice3A_176[0] : i32 from vector<1xi32>
      %multiple_of3A_178 = tpu.assume_multiple %squeeze3A_177, 64 : i32
      %dma_start3A_179 = tpu.memref_slice %arg12[%mul3A_169] : memref<32768xf32, #tpu.memory_space<vmem>> -> memref<64xf32, #tpu.memory_space<vmem>>
      %dma_start3A_180 = tpu.memref_slice %arg5[%multiple_of3A_172] : memref<64000000xf32, #tpu.memory_space<hbm>> -> memref<64xf32, #tpu.memory_space<hbm>>
      %dma_start3A_181 = tpu.memref_slice %arg12[%mul3A_169] : memref<32768xf32, #tpu.memory_space<vmem>> -> memref<64xf32, #tpu.memory_space<vmem>>
      %dma_start3A_182 = tpu.memref_slice %arg5[%multiple_of3A_172] : memref<64000000xf32, #tpu.memory_space<hbm>> -> memref<64xf32, #tpu.memory_space<hbm>>
      tpu.enqueue_dma source(%dma_start3A_182 : memref<64xf32, #tpu.memory_space<hbm>>) target(%dma_start3A_181 : memref<64xf32, #tpu.memory_space<vmem>>) target_semaphore(%arg18 : memref<!tpu.dma_semaphore, #tpu.memory_space<semaphore_mem>>)
      %dma_start3A_183 = tpu.memref_slice %arg13[%mul3A_169] : memref<32768xf32, #tpu.memory_space<vmem>> -> memref<64xf32, #tpu.memory_space<vmem>>
      %dma_start3A_184 = tpu.memref_slice %arg6[%multiple_of3A_175] : memref<64000000xf32, #tpu.memory_space<hbm>> -> memref<64xf32, #tpu.memory_space<hbm>>
      %dma_start3A_185 = tpu.memref_slice %arg13[%mul3A_169] : memref<32768xf32, #tpu.memory_space<vmem>> -> memref<64xf32, #tpu.memory_space<vmem>>
      %dma_start3A_186 = tpu.memref_slice %arg6[%multiple_of3A_175] : memref<64000000xf32, #tpu.memory_space<hbm>> -> memref<64xf32, #tpu.memory_space<hbm>>
      tpu.enqueue_dma source(%dma_start3A_186 : memref<64xf32, #tpu.memory_space<hbm>>) target(%dma_start3A_185 : memref<64xf32, #tpu.memory_space<vmem>>) target_semaphore(%arg18 : memref<!tpu.dma_semaphore, #tpu.memory_space<semaphore_mem>>)
      %dma_start3A_187 = tpu.memref_slice %arg14[%mul3A_169] : memref<32768xf32, #tpu.memory_space<vmem>> -> memref<64xf32, #tpu.memory_space<vmem>>
      %dma_start3A_188 = tpu.memref_slice %arg6[%multiple_of3A_178] : memref<64000000xf32, #tpu.memory_space<hbm>> -> memref<64xf32, #tpu.memory_space<hbm>>
      %dma_start3A_189 = tpu.memref_slice %arg14[%mul3A_169] : memref<32768xf32, #tpu.memory_space<vmem>> -> memref<64xf32, #tpu.memory_space<vmem>>
      %dma_start3A_190 = tpu.memref_slice %arg6[%multiple_of3A_178] : memref<64000000xf32, #tpu.memory_space<hbm>> -> memref<64xf32, #tpu.memory_space<hbm>>
      tpu.enqueue_dma source(%dma_start3A_190 : memref<64xf32, #tpu.memory_space<hbm>>) target(%dma_start3A_189 : memref<64xf32, #tpu.memory_space<vmem>>) target_semaphore(%arg18 : memref<!tpu.dma_semaphore, #tpu.memory_space<semaphore_mem>>)
      %add3A_191 = arith.constant 6 : i32
      %add3A_192 = arith.addi %mul3A_35, %add3A_191 : i32
      %mul3A_193 = arith.constant 64 : i32
      %mul3A_194 = arith.muli %add3A_192, %mul3A_193 : i32
      %slice3A_195 = vector.extract_strided_slice %mul3A_37 {offsets = [6], sizes = [1], strides = [1]} : vector<16xi32> to vector<1xi32>
      %squeeze3A_196 = vector.extract %slice3A_195[0] : i32 from vector<1xi32>
      %multiple_of3A_197 = tpu.assume_multiple %squeeze3A_196, 64 : i32
      %slice3A_198 = vector.extract_strided_slice %mul3A_40 {offsets = [6], sizes = [1], strides = [1]} : vector<16xi32> to vector<1xi32>
      %squeeze3A_199 = vector.extract %slice3A_198[0] : i32 from vector<1xi32>
      %multiple_of3A_200 = tpu.assume_multiple %squeeze3A_199, 64 : i32
      %slice3A_201 = vector.extract_strided_slice %mul3A_43 {offsets = [6], sizes = [1], strides = [1]} : vector<16xi32> to vector<1xi32>
      %squeeze3A_202 = vector.extract %slice3A_201[0] : i32 from vector<1xi32>
      %multiple_of3A_203 = tpu.assume_multiple %squeeze3A_202, 64 : i32
      %dma_start3A_204 = tpu.memref_slice %arg12[%mul3A_194] : memref<32768xf32, #tpu.memory_space<vmem>> -> memref<64xf32, #tpu.memory_space<vmem>>
      %dma_start3A_205 = tpu.memref_slice %arg5[%multiple_of3A_197] : memref<64000000xf32, #tpu.memory_space<hbm>> -> memref<64xf32, #tpu.memory_space<hbm>>
      %dma_start3A_206 = tpu.memref_slice %arg12[%mul3A_194] : memref<32768xf32, #tpu.memory_space<vmem>> -> memref<64xf32, #tpu.memory_space<vmem>>
      %dma_start3A_207 = tpu.memref_slice %arg5[%multiple_of3A_197] : memref<64000000xf32, #tpu.memory_space<hbm>> -> memref<64xf32, #tpu.memory_space<hbm>>
      tpu.enqueue_dma source(%dma_start3A_207 : memref<64xf32, #tpu.memory_space<hbm>>) target(%dma_start3A_206 : memref<64xf32, #tpu.memory_space<vmem>>) target_semaphore(%arg18 : memref<!tpu.dma_semaphore, #tpu.memory_space<semaphore_mem>>)
      %dma_start3A_208 = tpu.memref_slice %arg13[%mul3A_194] : memref<32768xf32, #tpu.memory_space<vmem>> -> memref<64xf32, #tpu.memory_space<vmem>>
      %dma_start3A_209 = tpu.memref_slice %arg6[%multiple_of3A_200] : memref<64000000xf32, #tpu.memory_space<hbm>> -> memref<64xf32, #tpu.memory_space<hbm>>
      %dma_start3A_210 = tpu.memref_slice %arg13[%mul3A_194] : memref<32768xf32, #tpu.memory_space<vmem>> -> memref<64xf32, #tpu.memory_space<vmem>>
      %dma_start3A_211 = tpu.memref_slice %arg6[%multiple_of3A_200] : memref<64000000xf32, #tpu.memory_space<hbm>> -> memref<64xf32, #tpu.memory_space<hbm>>
      tpu.enqueue_dma source(%dma_start3A_211 : memref<64xf32, #tpu.memory_space<hbm>>) target(%dma_start3A_210 : memref<64xf32, #tpu.memory_space<vmem>>) target_semaphore(%arg18 : memref<!tpu.dma_semaphore, #tpu.memory_space<semaphore_mem>>)
      %dma_start3A_212 = tpu.memref_slice %arg14[%mul3A_194] : memref<32768xf32, #tpu.memory_space<vmem>> -> memref<64xf32, #tpu.memory_space<vmem>>
      %dma_start3A_213 = tpu.memref_slice %arg6[%multiple_of3A_203] : memref<64000000xf32, #tpu.memory_space<hbm>> -> memref<64xf32, #tpu.memory_space<hbm>>
      %dma_start3A_214 = tpu.memref_slice %arg14[%mul3A_194] : memref<32768xf32, #tpu.memory_space<vmem>> -> memref<64xf32, #tpu.memory_space<vmem>>
      %dma_start3A_215 = tpu.memref_slice %arg6[%multiple_of3A_203] : memref<64000000xf32, #tpu.memory_space<hbm>> -> memref<64xf32, #tpu.memory_space<hbm>>
      tpu.enqueue_dma source(%dma_start3A_215 : memref<64xf32, #tpu.memory_space<hbm>>) target(%dma_start3A_214 : memref<64xf32, #tpu.memory_space<vmem>>) target_semaphore(%arg18 : memref<!tpu.dma_semaphore, #tpu.memory_space<semaphore_mem>>)
      %add3A_216 = arith.constant 7 : i32
      %add3A_217 = arith.addi %mul3A_35, %add3A_216 : i32
      %mul3A_218 = arith.constant 64 : i32
      %mul3A_219 = arith.muli %add3A_217, %mul3A_218 : i32
      %slice3A_220 = vector.extract_strided_slice %mul3A_37 {offsets = [7], sizes = [1], strides = [1]} : vector<16xi32> to vector<1xi32>
      %squeeze3A_221 = vector.extract %slice3A_220[0] : i32 from vector<1xi32>
      %multiple_of3A_222 = tpu.assume_multiple %squeeze3A_221, 64 : i32
      %slice3A_223 = vector.extract_strided_slice %mul3A_40 {offsets = [7], sizes = [1], strides = [1]} : vector<16xi32> to vector<1xi32>
      %squeeze3A_224 = vector.extract %slice3A_223[0] : i32 from vector<1xi32>
      %multiple_of3A_225 = tpu.assume_multiple %squeeze3A_224, 64 : i32
      %slice3A_226 = vector.extract_strided_slice %mul3A_43 {offsets = [7], sizes = [1], strides = [1]} : vector<16xi32> to vector<1xi32>
      %squeeze3A_227 = vector.extract %slice3A_226[0] : i32 from vector<1xi32>
      %multiple_of3A_228 = tpu.assume_multiple %squeeze3A_227, 64 : i32
      %dma_start3A_229 = tpu.memref_slice %arg12[%mul3A_219] : memref<32768xf32, #tpu.memory_space<vmem>> -> memref<64xf32, #tpu.memory_space<vmem>>
      %dma_start3A_230 = tpu.memref_slice %arg5[%multiple_of3A_222] : memref<64000000xf32, #tpu.memory_space<hbm>> -> memref<64xf32, #tpu.memory_space<hbm>>
      %dma_start3A_231 = tpu.memref_slice %arg12[%mul3A_219] : memref<32768xf32, #tpu.memory_space<vmem>> -> memref<64xf32, #tpu.memory_space<vmem>>
      %dma_start3A_232 = tpu.memref_slice %arg5[%multiple_of3A_222] : memref<64000000xf32, #tpu.memory_space<hbm>> -> memref<64xf32, #tpu.memory_space<hbm>>
      tpu.enqueue_dma source(%dma_start3A_232 : memref<64xf32, #tpu.memory_space<hbm>>) target(%dma_start3A_231 : memref<64xf32, #tpu.memory_space<vmem>>) target_semaphore(%arg18 : memref<!tpu.dma_semaphore, #tpu.memory_space<semaphore_mem>>)
      %dma_start3A_233 = tpu.memref_slice %arg13[%mul3A_219] : memref<32768xf32, #tpu.memory_space<vmem>> -> memref<64xf32, #tpu.memory_space<vmem>>
      %dma_start3A_234 = tpu.memref_slice %arg6[%multiple_of3A_225] : memref<64000000xf32, #tpu.memory_space<hbm>> -> memref<64xf32, #tpu.memory_space<hbm>>
      %dma_start3A_235 = tpu.memref_slice %arg13[%mul3A_219] : memref<32768xf32, #tpu.memory_space<vmem>> -> memref<64xf32, #tpu.memory_space<vmem>>
      %dma_start3A_236 = tpu.memref_slice %arg6[%multiple_of3A_225] : memref<64000000xf32, #tpu.memory_space<hbm>> -> memref<64xf32, #tpu.memory_space<hbm>>
      tpu.enqueue_dma source(%dma_start3A_236 : memref<64xf32, #tpu.memory_space<hbm>>) target(%dma_start3A_235 : memref<64xf32, #tpu.memory_space<vmem>>) target_semaphore(%arg18 : memref<!tpu.dma_semaphore, #tpu.memory_space<semaphore_mem>>)
      %dma_start3A_237 = tpu.memref_slice %arg14[%mul3A_219] : memref<32768xf32, #tpu.memory_space<vmem>> -> memref<64xf32, #tpu.memory_space<vmem>>
      %dma_start3A_238 = tpu.memref_slice %arg6[%multiple_of3A_228] : memref<64000000xf32, #tpu.memory_space<hbm>> -> memref<64xf32, #tpu.memory_space<hbm>>
      %dma_start3A_239 = tpu.memref_slice %arg14[%mul3A_219] : memref<32768xf32, #tpu.memory_space<vmem>> -> memref<64xf32, #tpu.memory_space<vmem>>
      %dma_start3A_240 = tpu.memref_slice %arg6[%multiple_of3A_228] : memref<64000000xf32, #tpu.memory_space<hbm>> -> memref<64xf32, #tpu.memory_space<hbm>>
      tpu.enqueue_dma source(%dma_start3A_240 : memref<64xf32, #tpu.memory_space<hbm>>) target(%dma_start3A_239 : memref<64xf32, #tpu.memory_space<vmem>>) target_semaphore(%arg18 : memref<!tpu.dma_semaphore, #tpu.memory_space<semaphore_mem>>)
      %add3A_241 = arith.constant 8 : i32
      %add3A_242 = arith.addi %mul3A_35, %add3A_241 : i32
      %mul3A_243 = arith.constant 64 : i32
      %mul3A_244 = arith.muli %add3A_242, %mul3A_243 : i32
      %slice3A_245 = vector.extract_strided_slice %mul3A_37 {offsets = [8], sizes = [1], strides = [1]} : vector<16xi32> to vector<1xi32>
      %squeeze3A_246 = vector.extract %slice3A_245[0] : i32 from vector<1xi32>
      %multiple_of3A_247 = tpu.assume_multiple %squeeze3A_246, 64 : i32
      %slice3A_248 = vector.extract_strided_slice %mul3A_40 {offsets = [8], sizes = [1], strides = [1]} : vector<16xi32> to vector<1xi32>
      %squeeze3A_249 = vector.extract %slice3A_248[0] : i32 from vector<1xi32>
      %multiple_of3A_250 = tpu.assume_multiple %squeeze3A_249, 64 : i32
      %slice3A_251 = vector.extract_strided_slice %mul3A_43 {offsets = [8], sizes = [1], strides = [1]} : vector<16xi32> to vector<1xi32>
      %squeeze3A_252 = vector.extract %slice3A_251[0] : i32 from vector<1xi32>
      %multiple_of3A_253 = tpu.assume_multiple %squeeze3A_252, 64 : i32
      %dma_start3A_254 = tpu.memref_slice %arg12[%mul3A_244] : memref<32768xf32, #tpu.memory_space<vmem>> -> memref<64xf32, #tpu.memory_space<vmem>>
      %dma_start3A_255 = tpu.memref_slice %arg5[%multiple_of3A_247] : memref<64000000xf32, #tpu.memory_space<hbm>> -> memref<64xf32, #tpu.memory_space<hbm>>
      %dma_start3A_256 = tpu.memref_slice %arg12[%mul3A_244] : memref<32768xf32, #tpu.memory_space<vmem>> -> memref<64xf32, #tpu.memory_space<vmem>>
      %dma_start3A_257 = tpu.memref_slice %arg5[%multiple_of3A_247] : memref<64000000xf32, #tpu.memory_space<hbm>> -> memref<64xf32, #tpu.memory_space<hbm>>
      tpu.enqueue_dma source(%dma_start3A_257 : memref<64xf32, #tpu.memory_space<hbm>>) target(%dma_start3A_256 : memref<64xf32, #tpu.memory_space<vmem>>) target_semaphore(%arg18 : memref<!tpu.dma_semaphore, #tpu.memory_space<semaphore_mem>>)
      %dma_start3A_258 = tpu.memref_slice %arg13[%mul3A_244] : memref<32768xf32, #tpu.memory_space<vmem>> -> memref<64xf32, #tpu.memory_space<vmem>>
      %dma_start3A_259 = tpu.memref_slice %arg6[%multiple_of3A_250] : memref<64000000xf32, #tpu.memory_space<hbm>> -> memref<64xf32, #tpu.memory_space<hbm>>
      %dma_start3A_260 = tpu.memref_slice %arg13[%mul3A_244] : memref<32768xf32, #tpu.memory_space<vmem>> -> memref<64xf32, #tpu.memory_space<vmem>>
      %dma_start3A_261 = tpu.memref_slice %arg6[%multiple_of3A_250] : memref<64000000xf32, #tpu.memory_space<hbm>> -> memref<64xf32, #tpu.memory_space<hbm>>
      tpu.enqueue_dma source(%dma_start3A_261 : memref<64xf32, #tpu.memory_space<hbm>>) target(%dma_start3A_260 : memref<64xf32, #tpu.memory_space<vmem>>) target_semaphore(%arg18 : memref<!tpu.dma_semaphore, #tpu.memory_space<semaphore_mem>>)
      %dma_start3A_262 = tpu.memref_slice %arg14[%mul3A_244] : memref<32768xf32, #tpu.memory_space<vmem>> -> memref<64xf32, #tpu.memory_space<vmem>>
      %dma_start3A_263 = tpu.memref_slice %arg6[%multiple_of3A_253] : memref<64000000xf32, #tpu.memory_space<hbm>> -> memref<64xf32, #tpu.memory_space<hbm>>
      %dma_start3A_264 = tpu.memref_slice %arg14[%mul3A_244] : memref<32768xf32, #tpu.memory_space<vmem>> -> memref<64xf32, #tpu.memory_space<vmem>>
      %dma_start3A_265 = tpu.memref_slice %arg6[%multiple_of3A_253] : memref<64000000xf32, #tpu.memory_space<hbm>> -> memref<64xf32, #tpu.memory_space<hbm>>
      tpu.enqueue_dma source(%dma_start3A_265 : memref<64xf32, #tpu.memory_space<hbm>>) target(%dma_start3A_264 : memref<64xf32, #tpu.memory_space<vmem>>) target_semaphore(%arg18 : memref<!tpu.dma_semaphore, #tpu.memory_space<semaphore_mem>>)
      %add3A_266 = arith.constant 9 : i32
      %add3A_267 = arith.addi %mul3A_35, %add3A_266 : i32
      %mul3A_268 = arith.constant 64 : i32
      %mul3A_269 = arith.muli %add3A_267, %mul3A_268 : i32
      %slice3A_270 = vector.extract_strided_slice %mul3A_37 {offsets = [9], sizes = [1], strides = [1]} : vector<16xi32> to vector<1xi32>
      %squeeze3A_271 = vector.extract %slice3A_270[0] : i32 from vector<1xi32>
      %multiple_of3A_272 = tpu.assume_multiple %squeeze3A_271, 64 : i32
      %slice3A_273 = vector.extract_strided_slice %mul3A_40 {offsets = [9], sizes = [1], strides = [1]} : vector<16xi32> to vector<1xi32>
      %squeeze3A_274 = vector.extract %slice3A_273[0] : i32 from vector<1xi32>
      %multiple_of3A_275 = tpu.assume_multiple %squeeze3A_274, 64 : i32
      %slice3A_276 = vector.extract_strided_slice %mul3A_43 {offsets = [9], sizes = [1], strides = [1]} : vector<16xi32> to vector<1xi32>
      %squeeze3A_277 = vector.extract %slice3A_276[0] : i32 from vector<1xi32>
      %multiple_of3A_278 = tpu.assume_multiple %squeeze3A_277, 64 : i32
      %dma_start3A_279 = tpu.memref_slice %arg12[%mul3A_269] : memref<32768xf32, #tpu.memory_space<vmem>> -> memref<64xf32, #tpu.memory_space<vmem>>
      %dma_start3A_280 = tpu.memref_slice %arg5[%multiple_of3A_272] : memref<64000000xf32, #tpu.memory_space<hbm>> -> memref<64xf32, #tpu.memory_space<hbm>>
      %dma_start3A_281 = tpu.memref_slice %arg12[%mul3A_269] : memref<32768xf32, #tpu.memory_space<vmem>> -> memref<64xf32, #tpu.memory_space<vmem>>
      %dma_start3A_282 = tpu.memref_slice %arg5[%multiple_of3A_272] : memref<64000000xf32, #tpu.memory_space<hbm>> -> memref<64xf32, #tpu.memory_space<hbm>>
      tpu.enqueue_dma source(%dma_start3A_282 : memref<64xf32, #tpu.memory_space<hbm>>) target(%dma_start3A_281 : memref<64xf32, #tpu.memory_space<vmem>>) target_semaphore(%arg18 : memref<!tpu.dma_semaphore, #tpu.memory_space<semaphore_mem>>)
      %dma_start3A_283 = tpu.memref_slice %arg13[%mul3A_269] : memref<32768xf32, #tpu.memory_space<vmem>> -> memref<64xf32, #tpu.memory_space<vmem>>
      %dma_start3A_284 = tpu.memref_slice %arg6[%multiple_of3A_275] : memref<64000000xf32, #tpu.memory_space<hbm>> -> memref<64xf32, #tpu.memory_space<hbm>>
      %dma_start3A_285 = tpu.memref_slice %arg13[%mul3A_269] : memref<32768xf32, #tpu.memory_space<vmem>> -> memref<64xf32, #tpu.memory_space<vmem>>
      %dma_start3A_286 = tpu.memref_slice %arg6[%multiple_of3A_275] : memref<64000000xf32, #tpu.memory_space<hbm>> -> memref<64xf32, #tpu.memory_space<hbm>>
      tpu.enqueue_dma source(%dma_start3A_286 : memref<64xf32, #tpu.memory_space<hbm>>) target(%dma_start3A_285 : memref<64xf32, #tpu.memory_space<vmem>>) target_semaphore(%arg18 : memref<!tpu.dma_semaphore, #tpu.memory_space<semaphore_mem>>)
      %dma_start3A_287 = tpu.memref_slice %arg14[%mul3A_269] : memref<32768xf32, #tpu.memory_space<vmem>> -> memref<64xf32, #tpu.memory_space<vmem>>
      %dma_start3A_288 = tpu.memref_slice %arg6[%multiple_of3A_278] : memref<64000000xf32, #tpu.memory_space<hbm>> -> memref<64xf32, #tpu.memory_space<hbm>>
      %dma_start3A_289 = tpu.memref_slice %arg14[%mul3A_269] : memref<32768xf32, #tpu.memory_space<vmem>> -> memref<64xf32, #tpu.memory_space<vmem>>
      %dma_start3A_290 = tpu.memref_slice %arg6[%multiple_of3A_278] : memref<64000000xf32, #tpu.memory_space<hbm>> -> memref<64xf32, #tpu.memory_space<hbm>>
      tpu.enqueue_dma source(%dma_start3A_290 : memref<64xf32, #tpu.memory_space<hbm>>) target(%dma_start3A_289 : memref<64xf32, #tpu.memory_space<vmem>>) target_semaphore(%arg18 : memref<!tpu.dma_semaphore, #tpu.memory_space<semaphore_mem>>)
      %add3A_291 = arith.constant 10 : i32
      %add3A_292 = arith.addi %mul3A_35, %add3A_291 : i32
      %mul3A_293 = arith.constant 64 : i32
      %mul3A_294 = arith.muli %add3A_292, %mul3A_293 : i32
      %slice3A_295 = vector.extract_strided_slice %mul3A_37 {offsets = [10], sizes = [1], strides = [1]} : vector<16xi32> to vector<1xi32>
      %squeeze3A_296 = vector.extract %slice3A_295[0] : i32 from vector<1xi32>
      %multiple_of3A_297 = tpu.assume_multiple %squeeze3A_296, 64 : i32
      %slice3A_298 = vector.extract_strided_slice %mul3A_40 {offsets = [10], sizes = [1], strides = [1]} : vector<16xi32> to vector<1xi32>
      %squeeze3A_299 = vector.extract %slice3A_298[0] : i32 from vector<1xi32>
      %multiple_of3A_300 = tpu.assume_multiple %squeeze3A_299, 64 : i32
      %slice3A_301 = vector.extract_strided_slice %mul3A_43 {offsets = [10], sizes = [1], strides = [1]} : vector<16xi32> to vector<1xi32>
      %squeeze3A_302 = vector.extract %slice3A_301[0] : i32 from vector<1xi32>
      %multiple_of3A_303 = tpu.assume_multiple %squeeze3A_302, 64 : i32
      %dma_start3A_304 = tpu.memref_slice %arg12[%mul3A_294] : memref<32768xf32, #tpu.memory_space<vmem>> -> memref<64xf32, #tpu.memory_space<vmem>>
      %dma_start3A_305 = tpu.memref_slice %arg5[%multiple_of3A_297] : memref<64000000xf32, #tpu.memory_space<hbm>> -> memref<64xf32, #tpu.memory_space<hbm>>
      %dma_start3A_306 = tpu.memref_slice %arg12[%mul3A_294] : memref<32768xf32, #tpu.memory_space<vmem>> -> memref<64xf32, #tpu.memory_space<vmem>>
      %dma_start3A_307 = tpu.memref_slice %arg5[%multiple_of3A_297] : memref<64000000xf32, #tpu.memory_space<hbm>> -> memref<64xf32, #tpu.memory_space<hbm>>
      tpu.enqueue_dma source(%dma_start3A_307 : memref<64xf32, #tpu.memory_space<hbm>>) target(%dma_start3A_306 : memref<64xf32, #tpu.memory_space<vmem>>) target_semaphore(%arg18 : memref<!tpu.dma_semaphore, #tpu.memory_space<semaphore_mem>>)
      %dma_start3A_308 = tpu.memref_slice %arg13[%mul3A_294] : memref<32768xf32, #tpu.memory_space<vmem>> -> memref<64xf32, #tpu.memory_space<vmem>>
      %dma_start3A_309 = tpu.memref_slice %arg6[%multiple_of3A_300] : memref<64000000xf32, #tpu.memory_space<hbm>> -> memref<64xf32, #tpu.memory_space<hbm>>
      %dma_start3A_310 = tpu.memref_slice %arg13[%mul3A_294] : memref<32768xf32, #tpu.memory_space<vmem>> -> memref<64xf32, #tpu.memory_space<vmem>>
      %dma_start3A_311 = tpu.memref_slice %arg6[%multiple_of3A_300] : memref<64000000xf32, #tpu.memory_space<hbm>> -> memref<64xf32, #tpu.memory_space<hbm>>
      tpu.enqueue_dma source(%dma_start3A_311 : memref<64xf32, #tpu.memory_space<hbm>>) target(%dma_start3A_310 : memref<64xf32, #tpu.memory_space<vmem>>) target_semaphore(%arg18 : memref<!tpu.dma_semaphore, #tpu.memory_space<semaphore_mem>>)
      %dma_start3A_312 = tpu.memref_slice %arg14[%mul3A_294] : memref<32768xf32, #tpu.memory_space<vmem>> -> memref<64xf32, #tpu.memory_space<vmem>>
      %dma_start3A_313 = tpu.memref_slice %arg6[%multiple_of3A_303] : memref<64000000xf32, #tpu.memory_space<hbm>> -> memref<64xf32, #tpu.memory_space<hbm>>
      %dma_start3A_314 = tpu.memref_slice %arg14[%mul3A_294] : memref<32768xf32, #tpu.memory_space<vmem>> -> memref<64xf32, #tpu.memory_space<vmem>>
      %dma_start3A_315 = tpu.memref_slice %arg6[%multiple_of3A_303] : memref<64000000xf32, #tpu.memory_space<hbm>> -> memref<64xf32, #tpu.memory_space<hbm>>
      tpu.enqueue_dma source(%dma_start3A_315 : memref<64xf32, #tpu.memory_space<hbm>>) target(%dma_start3A_314 : memref<64xf32, #tpu.memory_space<vmem>>) target_semaphore(%arg18 : memref<!tpu.dma_semaphore, #tpu.memory_space<semaphore_mem>>)
      %add3A_316 = arith.constant 11 : i32
      %add3A_317 = arith.addi %mul3A_35, %add3A_316 : i32
      %mul3A_318 = arith.constant 64 : i32
      %mul3A_319 = arith.muli %add3A_317, %mul3A_318 : i32
      %slice3A_320 = vector.extract_strided_slice %mul3A_37 {offsets = [11], sizes = [1], strides = [1]} : vector<16xi32> to vector<1xi32>
      %squeeze3A_321 = vector.extract %slice3A_320[0] : i32 from vector<1xi32>
      %multiple_of3A_322 = tpu.assume_multiple %squeeze3A_321, 64 : i32
      %slice3A_323 = vector.extract_strided_slice %mul3A_40 {offsets = [11], sizes = [1], strides = [1]} : vector<16xi32> to vector<1xi32>
      %squeeze3A_324 = vector.extract %slice3A_323[0] : i32 from vector<1xi32>
      %multiple_of3A_325 = tpu.assume_multiple %squeeze3A_324, 64 : i32
      %slice3A_326 = vector.extract_strided_slice %mul3A_43 {offsets = [11], sizes = [1], strides = [1]} : vector<16xi32> to vector<1xi32>
      %squeeze3A_327 = vector.extract %slice3A_326[0] : i32 from vector<1xi32>
      %multiple_of3A_328 = tpu.assume_multiple %squeeze3A_327, 64 : i32
      %dma_start3A_329 = tpu.memref_slice %arg12[%mul3A_319] : memref<32768xf32, #tpu.memory_space<vmem>> -> memref<64xf32, #tpu.memory_space<vmem>>
      %dma_start3A_330 = tpu.memref_slice %arg5[%multiple_of3A_322] : memref<64000000xf32, #tpu.memory_space<hbm>> -> memref<64xf32, #tpu.memory_space<hbm>>
      %dma_start3A_331 = tpu.memref_slice %arg12[%mul3A_319] : memref<32768xf32, #tpu.memory_space<vmem>> -> memref<64xf32, #tpu.memory_space<vmem>>
      %dma_start3A_332 = tpu.memref_slice %arg5[%multiple_of3A_322] : memref<64000000xf32, #tpu.memory_space<hbm>> -> memref<64xf32, #tpu.memory_space<hbm>>
      tpu.enqueue_dma source(%dma_start3A_332 : memref<64xf32, #tpu.memory_space<hbm>>) target(%dma_start3A_331 : memref<64xf32, #tpu.memory_space<vmem>>) target_semaphore(%arg18 : memref<!tpu.dma_semaphore, #tpu.memory_space<semaphore_mem>>)
      %dma_start3A_333 = tpu.memref_slice %arg13[%mul3A_319] : memref<32768xf32, #tpu.memory_space<vmem>> -> memref<64xf32, #tpu.memory_space<vmem>>
      %dma_start3A_334 = tpu.memref_slice %arg6[%multiple_of3A_325] : memref<64000000xf32, #tpu.memory_space<hbm>> -> memref<64xf32, #tpu.memory_space<hbm>>
      %dma_start3A_335 = tpu.memref_slice %arg13[%mul3A_319] : memref<32768xf32, #tpu.memory_space<vmem>> -> memref<64xf32, #tpu.memory_space<vmem>>
      %dma_start3A_336 = tpu.memref_slice %arg6[%multiple_of3A_325] : memref<64000000xf32, #tpu.memory_space<hbm>> -> memref<64xf32, #tpu.memory_space<hbm>>
      tpu.enqueue_dma source(%dma_start3A_336 : memref<64xf32, #tpu.memory_space<hbm>>) target(%dma_start3A_335 : memref<64xf32, #tpu.memory_space<vmem>>) target_semaphore(%arg18 : memref<!tpu.dma_semaphore, #tpu.memory_space<semaphore_mem>>)
      %dma_start3A_337 = tpu.memref_slice %arg14[%mul3A_319] : memref<32768xf32, #tpu.memory_space<vmem>> -> memref<64xf32, #tpu.memory_space<vmem>>
      %dma_start3A_338 = tpu.memref_slice %arg6[%multiple_of3A_328] : memref<64000000xf32, #tpu.memory_space<hbm>> -> memref<64xf32, #tpu.memory_space<hbm>>
      %dma_start3A_339 = tpu.memref_slice %arg14[%mul3A_319] : memref<32768xf32, #tpu.memory_space<vmem>> -> memref<64xf32, #tpu.memory_space<vmem>>
      %dma_start3A_340 = tpu.memref_slice %arg6[%multiple_of3A_328] : memref<64000000xf32, #tpu.memory_space<hbm>> -> memref<64xf32, #tpu.memory_space<hbm>>
      tpu.enqueue_dma source(%dma_start3A_340 : memref<64xf32, #tpu.memory_space<hbm>>) target(%dma_start3A_339 : memref<64xf32, #tpu.memory_space<vmem>>) target_semaphore(%arg18 : memref<!tpu.dma_semaphore, #tpu.memory_space<semaphore_mem>>)
      %add3A_341 = arith.constant 12 : i32
      %add3A_342 = arith.addi %mul3A_35, %add3A_341 : i32
      %mul3A_343 = arith.constant 64 : i32
      %mul3A_344 = arith.muli %add3A_342, %mul3A_343 : i32
      %slice3A_345 = vector.extract_strided_slice %mul3A_37 {offsets = [12], sizes = [1], strides = [1]} : vector<16xi32> to vector<1xi32>
      %squeeze3A_346 = vector.extract %slice3A_345[0] : i32 from vector<1xi32>
      %multiple_of3A_347 = tpu.assume_multiple %squeeze3A_346, 64 : i32
      %slice3A_348 = vector.extract_strided_slice %mul3A_40 {offsets = [12], sizes = [1], strides = [1]} : vector<16xi32> to vector<1xi32>
      %squeeze3A_349 = vector.extract %slice3A_348[0] : i32 from vector<1xi32>
      %multiple_of3A_350 = tpu.assume_multiple %squeeze3A_349, 64 : i32
      %slice3A_351 = vector.extract_strided_slice %mul3A_43 {offsets = [12], sizes = [1], strides = [1]} : vector<16xi32> to vector<1xi32>
      %squeeze3A_352 = vector.extract %slice3A_351[0] : i32 from vector<1xi32>
      %multiple_of3A_353 = tpu.assume_multiple %squeeze3A_352, 64 : i32
      %dma_start3A_354 = tpu.memref_slice %arg12[%mul3A_344] : memref<32768xf32, #tpu.memory_space<vmem>> -> memref<64xf32, #tpu.memory_space<vmem>>
      %dma_start3A_355 = tpu.memref_slice %arg5[%multiple_of3A_347] : memref<64000000xf32, #tpu.memory_space<hbm>> -> memref<64xf32, #tpu.memory_space<hbm>>
      %dma_start3A_356 = tpu.memref_slice %arg12[%mul3A_344] : memref<32768xf32, #tpu.memory_space<vmem>> -> memref<64xf32, #tpu.memory_space<vmem>>
      %dma_start3A_357 = tpu.memref_slice %arg5[%multiple_of3A_347] : memref<64000000xf32, #tpu.memory_space<hbm>> -> memref<64xf32, #tpu.memory_space<hbm>>
      tpu.enqueue_dma source(%dma_start3A_357 : memref<64xf32, #tpu.memory_space<hbm>>) target(%dma_start3A_356 : memref<64xf32, #tpu.memory_space<vmem>>) target_semaphore(%arg18 : memref<!tpu.dma_semaphore, #tpu.memory_space<semaphore_mem>>)
      %dma_start3A_358 = tpu.memref_slice %arg13[%mul3A_344] : memref<32768xf32, #tpu.memory_space<vmem>> -> memref<64xf32, #tpu.memory_space<vmem>>
      %dma_start3A_359 = tpu.memref_slice %arg6[%multiple_of3A_350] : memref<64000000xf32, #tpu.memory_space<hbm>> -> memref<64xf32, #tpu.memory_space<hbm>>
      %dma_start3A_360 = tpu.memref_slice %arg13[%mul3A_344] : memref<32768xf32, #tpu.memory_space<vmem>> -> memref<64xf32, #tpu.memory_space<vmem>>
      %dma_start3A_361 = tpu.memref_slice %arg6[%multiple_of3A_350] : memref<64000000xf32, #tpu.memory_space<hbm>> -> memref<64xf32, #tpu.memory_space<hbm>>
      tpu.enqueue_dma source(%dma_start3A_361 : memref<64xf32, #tpu.memory_space<hbm>>) target(%dma_start3A_360 : memref<64xf32, #tpu.memory_space<vmem>>) target_semaphore(%arg18 : memref<!tpu.dma_semaphore, #tpu.memory_space<semaphore_mem>>)
      %dma_start3A_362 = tpu.memref_slice %arg14[%mul3A_344] : memref<32768xf32, #tpu.memory_space<vmem>> -> memref<64xf32, #tpu.memory_space<vmem>>
      %dma_start3A_363 = tpu.memref_slice %arg6[%multiple_of3A_353] : memref<64000000xf32, #tpu.memory_space<hbm>> -> memref<64xf32, #tpu.memory_space<hbm>>
      %dma_start3A_364 = tpu.memref_slice %arg14[%mul3A_344] : memref<32768xf32, #tpu.memory_space<vmem>> -> memref<64xf32, #tpu.memory_space<vmem>>
      %dma_start3A_365 = tpu.memref_slice %arg6[%multiple_of3A_353] : memref<64000000xf32, #tpu.memory_space<hbm>> -> memref<64xf32, #tpu.memory_space<hbm>>
      tpu.enqueue_dma source(%dma_start3A_365 : memref<64xf32, #tpu.memory_space<hbm>>) target(%dma_start3A_364 : memref<64xf32, #tpu.memory_space<vmem>>) target_semaphore(%arg18 : memref<!tpu.dma_semaphore, #tpu.memory_space<semaphore_mem>>)
      %add3A_366 = arith.constant 13 : i32
      %add3A_367 = arith.addi %mul3A_35, %add3A_366 : i32
      %mul3A_368 = arith.constant 64 : i32
      %mul3A_369 = arith.muli %add3A_367, %mul3A_368 : i32
      %slice3A_370 = vector.extract_strided_slice %mul3A_37 {offsets = [13], sizes = [1], strides = [1]} : vector<16xi32> to vector<1xi32>
      %squeeze3A_371 = vector.extract %slice3A_370[0] : i32 from vector<1xi32>
      %multiple_of3A_372 = tpu.assume_multiple %squeeze3A_371, 64 : i32
      %slice3A_373 = vector.extract_strided_slice %mul3A_40 {offsets = [13], sizes = [1], strides = [1]} : vector<16xi32> to vector<1xi32>
      %squeeze3A_374 = vector.extract %slice3A_373[0] : i32 from vector<1xi32>
      %multiple_of3A_375 = tpu.assume_multiple %squeeze3A_374, 64 : i32
      %slice3A_376 = vector.extract_strided_slice %mul3A_43 {offsets = [13], sizes = [1], strides = [1]} : vector<16xi32> to vector<1xi32>
      %squeeze3A_377 = vector.extract %slice3A_376[0] : i32 from vector<1xi32>
      %multiple_of3A_378 = tpu.assume_multiple %squeeze3A_377, 64 : i32
      %dma_start3A_379 = tpu.memref_slice %arg12[%mul3A_369] : memref<32768xf32, #tpu.memory_space<vmem>> -> memref<64xf32, #tpu.memory_space<vmem>>
      %dma_start3A_380 = tpu.memref_slice %arg5[%multiple_of3A_372] : memref<64000000xf32, #tpu.memory_space<hbm>> -> memref<64xf32, #tpu.memory_space<hbm>>
      %dma_start3A_381 = tpu.memref_slice %arg12[%mul3A_369] : memref<32768xf32, #tpu.memory_space<vmem>> -> memref<64xf32, #tpu.memory_space<vmem>>
      %dma_start3A_382 = tpu.memref_slice %arg5[%multiple_of3A_372] : memref<64000000xf32, #tpu.memory_space<hbm>> -> memref<64xf32, #tpu.memory_space<hbm>>
      tpu.enqueue_dma source(%dma_start3A_382 : memref<64xf32, #tpu.memory_space<hbm>>) target(%dma_start3A_381 : memref<64xf32, #tpu.memory_space<vmem>>) target_semaphore(%arg18 : memref<!tpu.dma_semaphore, #tpu.memory_space<semaphore_mem>>)
      %dma_start3A_383 = tpu.memref_slice %arg13[%mul3A_369] : memref<32768xf32, #tpu.memory_space<vmem>> -> memref<64xf32, #tpu.memory_space<vmem>>
      %dma_start3A_384 = tpu.memref_slice %arg6[%multiple_of3A_375] : memref<64000000xf32, #tpu.memory_space<hbm>> -> memref<64xf32, #tpu.memory_space<hbm>>
      %dma_start3A_385 = tpu.memref_slice %arg13[%mul3A_369] : memref<32768xf32, #tpu.memory_space<vmem>> -> memref<64xf32, #tpu.memory_space<vmem>>
      %dma_start3A_386 = tpu.memref_slice %arg6[%multiple_of3A_375] : memref<64000000xf32, #tpu.memory_space<hbm>> -> memref<64xf32, #tpu.memory_space<hbm>>
      tpu.enqueue_dma source(%dma_start3A_386 : memref<64xf32, #tpu.memory_space<hbm>>) target(%dma_start3A_385 : memref<64xf32, #tpu.memory_space<vmem>>) target_semaphore(%arg18 : memref<!tpu.dma_semaphore, #tpu.memory_space<semaphore_mem>>)
      %dma_start3A_387 = tpu.memref_slice %arg14[%mul3A_369] : memref<32768xf32, #tpu.memory_space<vmem>> -> memref<64xf32, #tpu.memory_space<vmem>>
      %dma_start3A_388 = tpu.memref_slice %arg6[%multiple_of3A_378] : memref<64000000xf32, #tpu.memory_space<hbm>> -> memref<64xf32, #tpu.memory_space<hbm>>
      %dma_start3A_389 = tpu.memref_slice %arg14[%mul3A_369] : memref<32768xf32, #tpu.memory_space<vmem>> -> memref<64xf32, #tpu.memory_space<vmem>>
      %dma_start3A_390 = tpu.memref_slice %arg6[%multiple_of3A_378] : memref<64000000xf32, #tpu.memory_space<hbm>> -> memref<64xf32, #tpu.memory_space<hbm>>
      tpu.enqueue_dma source(%dma_start3A_390 : memref<64xf32, #tpu.memory_space<hbm>>) target(%dma_start3A_389 : memref<64xf32, #tpu.memory_space<vmem>>) target_semaphore(%arg18 : memref<!tpu.dma_semaphore, #tpu.memory_space<semaphore_mem>>)
      %add3A_391 = arith.constant 14 : i32
      %add3A_392 = arith.addi %mul3A_35, %add3A_391 : i32
      %mul3A_393 = arith.constant 64 : i32
      %mul3A_394 = arith.muli %add3A_392, %mul3A_393 : i32
      %slice3A_395 = vector.extract_strided_slice %mul3A_37 {offsets = [14], sizes = [1], strides = [1]} : vector<16xi32> to vector<1xi32>
      %squeeze3A_396 = vector.extract %slice3A_395[0] : i32 from vector<1xi32>
      %multiple_of3A_397 = tpu.assume_multiple %squeeze3A_396, 64 : i32
      %slice3A_398 = vector.extract_strided_slice %mul3A_40 {offsets = [14], sizes = [1], strides = [1]} : vector<16xi32> to vector<1xi32>
      %squeeze3A_399 = vector.extract %slice3A_398[0] : i32 from vector<1xi32>
      %multiple_of3A_400 = tpu.assume_multiple %squeeze3A_399, 64 : i32
      %slice3A_401 = vector.extract_strided_slice %mul3A_43 {offsets = [14], sizes = [1], strides = [1]} : vector<16xi32> to vector<1xi32>
      %squeeze3A_402 = vector.extract %slice3A_401[0] : i32 from vector<1xi32>
      %multiple_of3A_403 = tpu.assume_multiple %squeeze3A_402, 64 : i32
      %dma_start3A_404 = tpu.memref_slice %arg12[%mul3A_394] : memref<32768xf32, #tpu.memory_space<vmem>> -> memref<64xf32, #tpu.memory_space<vmem>>
      %dma_start3A_405 = tpu.memref_slice %arg5[%multiple_of3A_397] : memref<64000000xf32, #tpu.memory_space<hbm>> -> memref<64xf32, #tpu.memory_space<hbm>>
      %dma_start3A_406 = tpu.memref_slice %arg12[%mul3A_394] : memref<32768xf32, #tpu.memory_space<vmem>> -> memref<64xf32, #tpu.memory_space<vmem>>
      %dma_start3A_407 = tpu.memref_slice %arg5[%multiple_of3A_397] : memref<64000000xf32, #tpu.memory_space<hbm>> -> memref<64xf32, #tpu.memory_space<hbm>>
      tpu.enqueue_dma source(%dma_start3A_407 : memref<64xf32, #tpu.memory_space<hbm>>) target(%dma_start3A_406 : memref<64xf32, #tpu.memory_space<vmem>>) target_semaphore(%arg18 : memref<!tpu.dma_semaphore, #tpu.memory_space<semaphore_mem>>)
      %dma_start3A_408 = tpu.memref_slice %arg13[%mul3A_394] : memref<32768xf32, #tpu.memory_space<vmem>> -> memref<64xf32, #tpu.memory_space<vmem>>
      %dma_start3A_409 = tpu.memref_slice %arg6[%multiple_of3A_400] : memref<64000000xf32, #tpu.memory_space<hbm>> -> memref<64xf32, #tpu.memory_space<hbm>>
      %dma_start3A_410 = tpu.memref_slice %arg13[%mul3A_394] : memref<32768xf32, #tpu.memory_space<vmem>> -> memref<64xf32, #tpu.memory_space<vmem>>
      %dma_start3A_411 = tpu.memref_slice %arg6[%multiple_of3A_400] : memref<64000000xf32, #tpu.memory_space<hbm>> -> memref<64xf32, #tpu.memory_space<hbm>>
      tpu.enqueue_dma source(%dma_start3A_411 : memref<64xf32, #tpu.memory_space<hbm>>) target(%dma_start3A_410 : memref<64xf32, #tpu.memory_space<vmem>>) target_semaphore(%arg18 : memref<!tpu.dma_semaphore, #tpu.memory_space<semaphore_mem>>)
      %dma_start3A_412 = tpu.memref_slice %arg14[%mul3A_394] : memref<32768xf32, #tpu.memory_space<vmem>> -> memref<64xf32, #tpu.memory_space<vmem>>
      %dma_start3A_413 = tpu.memref_slice %arg6[%multiple_of3A_403] : memref<64000000xf32, #tpu.memory_space<hbm>> -> memref<64xf32, #tpu.memory_space<hbm>>
      %dma_start3A_414 = tpu.memref_slice %arg14[%mul3A_394] : memref<32768xf32, #tpu.memory_space<vmem>> -> memref<64xf32, #tpu.memory_space<vmem>>
      %dma_start3A_415 = tpu.memref_slice %arg6[%multiple_of3A_403] : memref<64000000xf32, #tpu.memory_space<hbm>> -> memref<64xf32, #tpu.memory_space<hbm>>
      tpu.enqueue_dma source(%dma_start3A_415 : memref<64xf32, #tpu.memory_space<hbm>>) target(%dma_start3A_414 : memref<64xf32, #tpu.memory_space<vmem>>) target_semaphore(%arg18 : memref<!tpu.dma_semaphore, #tpu.memory_space<semaphore_mem>>)
      %add3A_416 = arith.constant 15 : i32
      %add3A_417 = arith.addi %mul3A_35, %add3A_416 : i32
      %mul3A_418 = arith.constant 64 : i32
      %mul3A_419 = arith.muli %add3A_417, %mul3A_418 : i32
      %slice3A_420 = vector.extract_strided_slice %mul3A_37 {offsets = [15], sizes = [1], strides = [1]} : vector<16xi32> to vector<1xi32>
      %squeeze3A_421 = vector.extract %slice3A_420[0] : i32 from vector<1xi32>
      %multiple_of3A_422 = tpu.assume_multiple %squeeze3A_421, 64 : i32
      %slice3A_423 = vector.extract_strided_slice %mul3A_40 {offsets = [15], sizes = [1], strides = [1]} : vector<16xi32> to vector<1xi32>
      %squeeze3A_424 = vector.extract %slice3A_423[0] : i32 from vector<1xi32>
      %multiple_of3A_425 = tpu.assume_multiple %squeeze3A_424, 64 : i32
      %slice3A_426 = vector.extract_strided_slice %mul3A_43 {offsets = [15], sizes = [1], strides = [1]} : vector<16xi32> to vector<1xi32>
      %squeeze3A_427 = vector.extract %slice3A_426[0] : i32 from vector<1xi32>
      %multiple_of3A_428 = tpu.assume_multiple %squeeze3A_427, 64 : i32
      %dma_start3A_429 = tpu.memref_slice %arg12[%mul3A_419] : memref<32768xf32, #tpu.memory_space<vmem>> -> memref<64xf32, #tpu.memory_space<vmem>>
      %dma_start3A_430 = tpu.memref_slice %arg5[%multiple_of3A_422] : memref<64000000xf32, #tpu.memory_space<hbm>> -> memref<64xf32, #tpu.memory_space<hbm>>
      %dma_start3A_431 = tpu.memref_slice %arg12[%mul3A_419] : memref<32768xf32, #tpu.memory_space<vmem>> -> memref<64xf32, #tpu.memory_space<vmem>>
      %dma_start3A_432 = tpu.memref_slice %arg5[%multiple_of3A_422] : memref<64000000xf32, #tpu.memory_space<hbm>> -> memref<64xf32, #tpu.memory_space<hbm>>
      tpu.enqueue_dma source(%dma_start3A_432 : memref<64xf32, #tpu.memory_space<hbm>>) target(%dma_start3A_431 : memref<64xf32, #tpu.memory_space<vmem>>) target_semaphore(%arg18 : memref<!tpu.dma_semaphore, #tpu.memory_space<semaphore_mem>>)
      %dma_start3A_433 = tpu.memref_slice %arg13[%mul3A_419] : memref<32768xf32, #tpu.memory_space<vmem>> -> memref<64xf32, #tpu.memory_space<vmem>>
      %dma_start3A_434 = tpu.memref_slice %arg6[%multiple_of3A_425] : memref<64000000xf32, #tpu.memory_space<hbm>> -> memref<64xf32, #tpu.memory_space<hbm>>
      %dma_start3A_435 = tpu.memref_slice %arg13[%mul3A_419] : memref<32768xf32, #tpu.memory_space<vmem>> -> memref<64xf32, #tpu.memory_space<vmem>>
      %dma_start3A_436 = tpu.memref_slice %arg6[%multiple_of3A_425] : memref<64000000xf32, #tpu.memory_space<hbm>> -> memref<64xf32, #tpu.memory_space<hbm>>
      tpu.enqueue_dma source(%dma_start3A_436 : memref<64xf32, #tpu.memory_space<hbm>>) target(%dma_start3A_435 : memref<64xf32, #tpu.memory_space<vmem>>) target_semaphore(%arg18 : memref<!tpu.dma_semaphore, #tpu.memory_space<semaphore_mem>>)
      %dma_start3A_437 = tpu.memref_slice %arg14[%mul3A_419] : memref<32768xf32, #tpu.memory_space<vmem>> -> memref<64xf32, #tpu.memory_space<vmem>>
      %dma_start3A_438 = tpu.memref_slice %arg6[%multiple_of3A_428] : memref<64000000xf32, #tpu.memory_space<hbm>> -> memref<64xf32, #tpu.memory_space<hbm>>
      %dma_start3A_439 = tpu.memref_slice %arg14[%mul3A_419] : memref<32768xf32, #tpu.memory_space<vmem>> -> memref<64xf32, #tpu.memory_space<vmem>>
      %dma_start3A_440 = tpu.memref_slice %arg6[%multiple_of3A_428] : memref<64000000xf32, #tpu.memory_space<hbm>> -> memref<64xf32, #tpu.memory_space<hbm>>
      tpu.enqueue_dma source(%dma_start3A_440 : memref<64xf32, #tpu.memory_space<hbm>>) target(%dma_start3A_439 : memref<64xf32, #tpu.memory_space<vmem>>) target_semaphore(%arg18 : memref<!tpu.dma_semaphore, #tpu.memory_space<semaphore_mem>>)
    }
    %scan3A_11 = arith.constant 32 : i32
    %dma_wait3A = arith.constant 0 : i32
    %dma_wait3A_12 = tpu.memref_slice %arg5[%dma_wait3A] : memref<64000000xf32, #tpu.memory_space<hbm>> -> memref<32768xf32, #tpu.memory_space<hbm>>
    %dma_wait3A_13 = arith.constant 0 : i32
    %dma_wait3A_14 = tpu.memref_slice %arg5[%dma_wait3A_13] : memref<64000000xf32, #tpu.memory_space<hbm>> -> memref<32768xf32, #tpu.memory_space<hbm>>
    tpu.wait_dma2 semaphore(%arg18 : memref<!tpu.dma_semaphore, #tpu.memory_space<semaphore_mem>>) src(%dma_wait3A_14 : memref<32768xf32, #tpu.memory_space<hbm>>) dst(%arg12 : memref<32768xf32, #tpu.memory_space<vmem>>)
    %dma_wait3A_15 = arith.constant 0 : i32
    %dma_wait3A_16 = tpu.memref_slice %arg5[%dma_wait3A_15] : memref<64000000xf32, #tpu.memory_space<hbm>> -> memref<32768xf32, #tpu.memory_space<hbm>>
    %dma_wait3A_17 = arith.constant 0 : i32
    %dma_wait3A_18 = tpu.memref_slice %arg5[%dma_wait3A_17] : memref<64000000xf32, #tpu.memory_space<hbm>> -> memref<32768xf32, #tpu.memory_space<hbm>>
    tpu.wait_dma2 semaphore(%arg18 : memref<!tpu.dma_semaphore, #tpu.memory_space<semaphore_mem>>) src(%dma_wait3A_18 : memref<32768xf32, #tpu.memory_space<hbm>>) dst(%arg13 : memref<32768xf32, #tpu.memory_space<vmem>>)
    %dma_wait3A_19 = arith.constant 0 : i32
    %dma_wait3A_20 = tpu.memref_slice %arg5[%dma_wait3A_19] : memref<64000000xf32, #tpu.memory_space<hbm>> -> memref<32768xf32, #tpu.memory_space<hbm>>
    %dma_wait3A_21 = arith.constant 0 : i32
    %dma_wait3A_22 = tpu.memref_slice %arg5[%dma_wait3A_21] : memref<64000000xf32, #tpu.memory_space<hbm>> -> memref<32768xf32, #tpu.memory_space<hbm>>
    tpu.wait_dma2 semaphore(%arg18 : memref<!tpu.dma_semaphore, #tpu.memory_space<semaphore_mem>>) src(%dma_wait3A_22 : memref<32768xf32, #tpu.memory_space<hbm>>) dst(%arg14 : memref<32768xf32, #tpu.memory_space<vmem>>)
    %dma_wait3A_23 = arith.constant 0 : i32
    %dma_wait3A_24 = tpu.memref_slice %arg7[%dma_wait3A_23] : memref<1000000xf32, #tpu.memory_space<hbm>> -> memref<1000000xf32, #tpu.memory_space<hbm>>
    tpu.wait_indirect_dma semaphore(%arg18 : memref<!tpu.dma_semaphore, #tpu.memory_space<semaphore_mem>>) src(%dma_wait3A_24 : memref<1000000xf32, #tpu.memory_space<hbm>>) dst(%arg15 : memref<512xf32, #tpu.memory_space<vmem>>)
    %dma_wait3A_25 = arith.constant 0 : i32
    %dma_wait3A_26 = tpu.memref_slice %arg7[%dma_wait3A_25] : memref<1000000xf32, #tpu.memory_space<hbm>> -> memref<1000000xf32, #tpu.memory_space<hbm>>
    tpu.wait_indirect_dma semaphore(%arg18 : memref<!tpu.dma_semaphore, #tpu.memory_space<semaphore_mem>>) src(%dma_wait3A_26 : memref<1000000xf32, #tpu.memory_space<hbm>>) dst(%arg16 : memref<512xf32, #tpu.memory_space<vmem>>)
    %iota3A = tpu.iota {dimensions = array<i32: 0>} : vector<16xi32>
    %scan3A_27 = arith.constant 0 : i32
    %scan3A_28 = arith.constant 0 : i32
    %scan3A_29 = arith.constant 32 : i32
    %scan3A_30 = arith.addi %scan3A_28, %scan3A_29 : i32
    %scan3A_31 = arith.constant 1 : i32
    scf.for %scan3A_33 = %scan3A_28 to %scan3A_30 step %scan3A_31  : i32 {
      %mul3A_34 = arith.constant 16 : i32
      %mul3A_35 = arith.muli %scan3A_33, %mul3A_34 : i32
      %add3A_36 = vector.broadcast %mul3A_35 : i32 to vector<16xi32>
      %add3A_37 = arith.addi %iota3A, %add3A_36 : vector<16xi32>
      %broadcast_in_dim3A_38 = arith.constant 64 : i32
      %broadcast_in_dim3A_39 = vector.broadcast %broadcast_in_dim3A_38 : i32 to vector<16xi32>
      %mul3A_40 = arith.muli %add3A_37, %broadcast_in_dim3A_39 : vector<16xi32>
      %get3A = arith.index_cast %mul3A_35 : i32 to index
      %get3A_41 = tpu.vector_load %arg15[%get3A] {strides = array<i32>} : memref<512xf32, #tpu.memory_space<vmem>>, vector<16xf32>,
      %get3A_42 = arith.index_cast %mul3A_35 : i32 to index
      %get3A_43 = tpu.vector_load %arg16[%get3A_42] {strides = array<i32>} : memref<512xf32, #tpu.memory_space<vmem>>, vector<16xf32>,
      %sub3A = arith.subf %get3A_41, %get3A_43 : vector<16xf32>
      %scan3A_44 = arith.constant 0 : i32
      %scan3A_45 = arith.constant 64 : i32
      %scan3A_46 = arith.addi %scan3A_44, %scan3A_45 : i32
      %scan3A_47 = arith.constant 8 : i32
      %scan3A_48 = scf.for %scan3A_51 = %scan3A_44 to %scan3A_46 step %scan3A_47 iter_args(%scan3A_52 = %sub3A) -> (vector<16xf32>)  : i32 {
        %broadcast_in_dim3A_53 = vector.broadcast %scan3A_51 : i32 to vector<16xi32>
        %add3A_54 = arith.addi %mul3A_40, %broadcast_in_dim3A_53 : vector<16xi32>
        %gather3A = tpu.vector_load_idx %arg12[%add3A_54] : memref<32768xf32, #tpu.memory_space<vmem>>[vector<16xi32>], vector<16xf32>,
        %gather3A_55 = tpu.vector_load_idx %arg13[%add3A_54] : memref<32768xf32, #tpu.memory_space<vmem>>[vector<16xi32>], vector<16xf32>,
        %gather3A_56 = tpu.vector_load_idx %arg14[%add3A_54] : memref<32768xf32, #tpu.memory_space<vmem>>[vector<16xi32>], vector<16xf32>,
        %sub3A_57 = arith.subf %gather3A_55, %gather3A_56 : vector<16xf32>
        %mul3A_58 = arith.mulf %gather3A, %sub3A_57 : vector<16xf32>
        %add3A_59 = arith.addf %scan3A_52, %mul3A_58 : vector<16xf32>
        %scan3A_60 = arith.constant 1 : i32
        %scan3A_61 = arith.addi %scan3A_51, %scan3A_60 : i32
        %broadcast_in_dim3A_62 = vector.broadcast %scan3A_61 : i32 to vector<16xi32>
        %add3A_63 = arith.addi %mul3A_40, %broadcast_in_dim3A_62 : vector<16xi32>
        %gather3A_64 = tpu.vector_load_idx %arg12[%add3A_63] : memref<32768xf32, #tpu.memory_space<vmem>>[vector<16xi32>], vector<16xf32>,
        %gather3A_65 = tpu.vector_load_idx %arg13[%add3A_63] : memref<32768xf32, #tpu.memory_space<vmem>>[vector<16xi32>], vector<16xf32>,
        %gather3A_66 = tpu.vector_load_idx %arg14[%add3A_63] : memref<32768xf32, #tpu.memory_space<vmem>>[vector<16xi32>], vector<16xf32>,
        %sub3A_67 = arith.subf %gather3A_65, %gather3A_66 : vector<16xf32>
        %mul3A_68 = arith.mulf %gather3A_64, %sub3A_67 : vector<16xf32>
        %add3A_69 = arith.addf %add3A_59, %mul3A_68 : vector<16xf32>
        %scan3A_70 = arith.constant 2 : i32
        %scan3A_71 = arith.addi %scan3A_51, %scan3A_70 : i32
        %broadcast_in_dim3A_72 = vector.broadcast %scan3A_71 : i32 to vector<16xi32>
        %add3A_73 = arith.addi %mul3A_40, %broadcast_in_dim3A_72 : vector<16xi32>
        %gather3A_74 = tpu.vector_load_idx %arg12[%add3A_73] : memref<32768xf32, #tpu.memory_space<vmem>>[vector<16xi32>], vector<16xf32>,
        %gather3A_75 = tpu.vector_load_idx %arg13[%add3A_73] : memref<32768xf32, #tpu.memory_space<vmem>>[vector<16xi32>], vector<16xf32>,
        %gather3A_76 = tpu.vector_load_idx %arg14[%add3A_73] : memref<32768xf32, #tpu.memory_space<vmem>>[vector<16xi32>], vector<16xf32>,
        %sub3A_77 = arith.subf %gather3A_75, %gather3A_76 : vector<16xf32>
        %mul3A_78 = arith.mulf %gather3A_74, %sub3A_77 : vector<16xf32>
        %add3A_79 = arith.addf %add3A_69, %mul3A_78 : vector<16xf32>
        %scan3A_80 = arith.constant 3 : i32
        %scan3A_81 = arith.addi %scan3A_51, %scan3A_80 : i32
        %broadcast_in_dim3A_82 = vector.broadcast %scan3A_81 : i32 to vector<16xi32>
        %add3A_83 = arith.addi %mul3A_40, %broadcast_in_dim3A_82 : vector<16xi32>
        %gather3A_84 = tpu.vector_load_idx %arg12[%add3A_83] : memref<32768xf32, #tpu.memory_space<vmem>>[vector<16xi32>], vector<16xf32>,
        %gather3A_85 = tpu.vector_load_idx %arg13[%add3A_83] : memref<32768xf32, #tpu.memory_space<vmem>>[vector<16xi32>], vector<16xf32>,
        %gather3A_86 = tpu.vector_load_idx %arg14[%add3A_83] : memref<32768xf32, #tpu.memory_space<vmem>>[vector<16xi32>], vector<16xf32>,
        %sub3A_87 = arith.subf %gather3A_85, %gather3A_86 : vector<16xf32>
        %mul3A_88 = arith.mulf %gather3A_84, %sub3A_87 : vector<16xf32>
        %add3A_89 = arith.addf %add3A_79, %mul3A_88 : vector<16xf32>
        %scan3A_90 = arith.constant 4 : i32
        %scan3A_91 = arith.addi %scan3A_51, %scan3A_90 : i32
        %broadcast_in_dim3A_92 = vector.broadcast %scan3A_91 : i32 to vector<16xi32>
        %add3A_93 = arith.addi %mul3A_40, %broadcast_in_dim3A_92 : vector<16xi32>
        %gather3A_94 = tpu.vector_load_idx %arg12[%add3A_93] : memref<32768xf32, #tpu.memory_space<vmem>>[vector<16xi32>], vector<16xf32>,
        %gather3A_95 = tpu.vector_load_idx %arg13[%add3A_93] : memref<32768xf32, #tpu.memory_space<vmem>>[vector<16xi32>], vector<16xf32>,
        %gather3A_96 = tpu.vector_load_idx %arg14[%add3A_93] : memref<32768xf32, #tpu.memory_space<vmem>>[vector<16xi32>], vector<16xf32>,
        %sub3A_97 = arith.subf %gather3A_95, %gather3A_96 : vector<16xf32>
        %mul3A_98 = arith.mulf %gather3A_94, %sub3A_97 : vector<16xf32>
        %add3A_99 = arith.addf %add3A_89, %mul3A_98 : vector<16xf32>
        %scan3A_100 = arith.constant 5 : i32
        %scan3A_101 = arith.addi %scan3A_51, %scan3A_100 : i32
        %broadcast_in_dim3A_102 = vector.broadcast %scan3A_101 : i32 to vector<16xi32>
        %add3A_103 = arith.addi %mul3A_40, %broadcast_in_dim3A_102 : vector<16xi32>
        %gather3A_104 = tpu.vector_load_idx %arg12[%add3A_103] : memref<32768xf32, #tpu.memory_space<vmem>>[vector<16xi32>], vector<16xf32>,
        %gather3A_105 = tpu.vector_load_idx %arg13[%add3A_103] : memref<32768xf32, #tpu.memory_space<vmem>>[vector<16xi32>], vector<16xf32>,
        %gather3A_106 = tpu.vector_load_idx %arg14[%add3A_103] : memref<32768xf32, #tpu.memory_space<vmem>>[vector<16xi32>], vector<16xf32>,
        %sub3A_107 = arith.subf %gather3A_105, %gather3A_106 : vector<16xf32>
        %mul3A_108 = arith.mulf %gather3A_104, %sub3A_107 : vector<16xf32>
        %add3A_109 = arith.addf %add3A_99, %mul3A_108 : vector<16xf32>
        %scan3A_110 = arith.constant 6 : i32
        %scan3A_111 = arith.addi %scan3A_51, %scan3A_110 : i32
        %broadcast_in_dim3A_112 = vector.broadcast %scan3A_111 : i32 to vector<16xi32>
        %add3A_113 = arith.addi %mul3A_40, %broadcast_in_dim3A_112 : vector<16xi32>
        %gather3A_114 = tpu.vector_load_idx %arg12[%add3A_113] : memref<32768xf32, #tpu.memory_space<vmem>>[vector<16xi32>], vector<16xf32>,
        %gather3A_115 = tpu.vector_load_idx %arg13[%add3A_113] : memref<32768xf32, #tpu.memory_space<vmem>>[vector<16xi32>], vector<16xf32>,
        %gather3A_116 = tpu.vector_load_idx %arg14[%add3A_113] : memref<32768xf32, #tpu.memory_space<vmem>>[vector<16xi32>], vector<16xf32>,
        %sub3A_117 = arith.subf %gather3A_115, %gather3A_116 : vector<16xf32>
        %mul3A_118 = arith.mulf %gather3A_114, %sub3A_117 : vector<16xf32>
        %add3A_119 = arith.addf %add3A_109, %mul3A_118 : vector<16xf32>
        %scan3A_120 = arith.constant 7 : i32
        %scan3A_121 = arith.addi %scan3A_51, %scan3A_120 : i32
        %broadcast_in_dim3A_122 = vector.broadcast %scan3A_121 : i32 to vector<16xi32>
        %add3A_123 = arith.addi %mul3A_40, %broadcast_in_dim3A_122 : vector<16xi32>
        %gather3A_124 = tpu.vector_load_idx %arg12[%add3A_123] : memref<32768xf32, #tpu.memory_space<vmem>>[vector<16xi32>], vector<16xf32>,
        %gather3A_125 = tpu.vector_load_idx %arg13[%add3A_123] : memref<32768xf32, #tpu.memory_space<vmem>>[vector<16xi32>], vector<16xf32>,
        %gather3A_126 = tpu.vector_load_idx %arg14[%add3A_123] : memref<32768xf32, #tpu.memory_space<vmem>>[vector<16xi32>], vector<16xf32>,
        %sub3A_127 = arith.subf %gather3A_125, %gather3A_126 : vector<16xf32>
        %mul3A_128 = arith.mulf %gather3A_124, %sub3A_127 : vector<16xf32>
        %add3A_129 = arith.addf %add3A_119, %mul3A_128 : vector<16xf32>
        scf.yield %add3A_129 : vector<16xf32>
      }
      %scan3A_49 = arith.constant 64 : i32
      %swap3A = arith.index_cast %mul3A_35 : i32 to index
      %swap3A_50 = tpu.vector_load %arg17[%swap3A] {strides = array<i32>} : memref<512xf32, #tpu.memory_space<vmem>>, vector<16xf32>,
      tpu.vector_store %arg17[%swap3A], %scan3A_48 {strides = array<i32>} : memref<512xf32, #tpu.memory_space<vmem>>, vector<16xf32>,
    }
    %scan3A_32 = arith.constant 32 : i32
    "tpu.region"() ({
      %run_scoped3A = tpu.sem_alloc : memref<!tpu.dma_semaphore, #tpu.memory_space<semaphore_mem>>
      %dma_start3A_33 = tpu.memref_slice %arg8[%mul3A_2] : memref<16384xf32, #tpu.memory_space<hbm>> -> memref<512xf32, #tpu.memory_space<hbm>>
      %dma_start3A_34 = tpu.memref_slice %arg8[%mul3A_2] : memref<16384xf32, #tpu.memory_space<hbm>> -> memref<512xf32, #tpu.memory_space<hbm>>
      tpu.enqueue_dma source(%arg17 : memref<512xf32, #tpu.memory_space<vmem>>) target(%dma_start3A_34 : memref<512xf32, #tpu.memory_space<hbm>>) target_semaphore(%run_scoped3A : memref<!tpu.dma_semaphore, #tpu.memory_space<semaphore_mem>>)
      %dma_wait3A_35 = tpu.memref_slice %arg8[%mul3A_2] : memref<16384xf32, #tpu.memory_space<hbm>> -> memref<512xf32, #tpu.memory_space<hbm>>
      %dma_wait3A_36 = tpu.memref_slice %arg8[%mul3A_2] : memref<16384xf32, #tpu.memory_space<hbm>> -> memref<512xf32, #tpu.memory_space<hbm>>
      tpu.wait_dma2 semaphore(%run_scoped3A : memref<!tpu.dma_semaphore, #tpu.memory_space<semaphore_mem>>) src(%arg17 : memref<512xf32, #tpu.memory_space<vmem>>) dst(%dma_wait3A_36 : memref<512xf32, #tpu.memory_space<hbm>>)
      tpu.yield
    }) : () -> ()
    return
  }
}

</mosaic_0001>

<sc_bundles>
// kernel: kernel.3.cloned.1.call-start
scs
__scs_entry_jumppad:
0x0: {  	(pc) =	sbr.rel $0x88, $3  }
0x1: {  	(tag) =	ssettag $0x0;
	lr =	simm.s32 $0x1  }
0x2: {  	[smem:$0x3F9B] =	sst lr;
	_ =	strace $0xD0000000  }
0x3: {  	_ = 	snop  }
0x4: {  	_ = 	snop  }
0x5: {  	_ = 	snop  }
0x6: {  	_ = 	snop  }
0x7: {  	_ = 	snop  }
__scs_overlays_trampoline_lowered:
0x8: {  	[smem:$0x3FAA] =	sst s0  }
0x9: {  	[smem:$0x3FAB] =	sst s1  }
0xa: {  	[smem:$0x3FAC] =	sst s2  }
0xb: {  	[smem:$0x3FAD] =	sst s3  }
0xc: {  	[smem:$0x3FAE] =	sst s4  }
0xd: {  	[smem:$0x3FAF] =	sst s5  }
0xe: {  	[smem:$0x3FB0] =	sst s6  }
0xf: {  	[smem:$0x3FB1] =	sst s7  }
0x10: {  	[smem:$0x3FB2] =	sst s8  }
0x11: {  	[smem:$0x3FB3] =	sst s9;
	s0 =	simm.s32 @!p0 $0x0  }
0x12: {  	s1 =	sld [smem:$0x3F99];
	s0 =	simm.s32 @p0 $0x1  }
0x13: {  	[smem:$0x3FB4] =	sst s0;
	s0 =	simm.s32 @!p1 $0x0  }
0x14: {  	s2 =	sld [smem:$0x3F98];
	s0 =	simm.s32 @p1 $0x1  }
0x15: {  	[smem:$0x3FB5] =	sst s0;
	s0 =	simm.s32 @!p2 $0x0  }
0x16: {  	s3 =	sld [smem:$0x3FDB];
	s0 =	simm.s32 @p2 $0x1  }
0x17: {  	s4 =	simm.s32 $0x1BF5;
	[smem:$0x3FB7] =	sst s0  }
0x18: {  	s0 =	sld [smem:$0x3F9A];
	_ =	swait.ge [sflag:s4], $0x0  }
0x19: {  	s7 =	sld [smem:$0x3F9B]  }
0x1a: {  	s8 =	sadd.s32 $0xFFFFE003, lr  }
0x1b: {  	s9 =	sadd.s32 $0xFFFFFEF7, lr;
	s5 =	simm.s32 $0xFFFFFFFF;
	p2 =	slt.u32 s8, $0xFFFFF086  }
0x1c: {  	p1 =	slt.u32 s9, $0xF7A;
	s5 =	simm.s32 @!p2 $0x0  }
0x1d: {  	s5 =	simm.s32 @p1 $0x1;
	p0 =	seq.s32 s7, s2  }
0x1e: {  	s7 =	smul.u32 @!p0 $0xF7A, s2;
	p2 =	seq.s32 @!p0 s5, $0x0  }
0x1f: {  	s9 =	smul.u32 $0xF7A, s1;
	s8 =	simm.s32 @!p0 $0x1BF5;
	p2 =	por !p2, p0  }
0x20: {  	[sflag:s8] =	ssyncset.s32 @!p0 $0xFFFFF086;
	s6 =	sadd.s32 @!p0 s3, s7;
	s7 =	simm.s32 @!p0 $0x108  }
0x21: {  	s3 =	sadd.s32 s3, s9;
	s6 =	sadd.s32 @!p0 $0x88, s6;
	s7 =	simm.s32 @p2 $0x1082  }
0x22: {  	[simem:s7], [sflag:s8] =	dma.local @!p0 [hbm:s6], $0xF7A  }
0x23: {  	s9 =	sor.u32 $0xD0000000, s2;
	s6 =	simm.s32 $0x108;
	_ =	swait.ge @!p0 [sflag:s8], $0x0  }
0x24: {  	s3 =	sadd.s32 $0x88, s3;
	s6 =	simm.s32 @!p1 $0x1082;
	[sflag:s4] =	ssyncset.s32 $0xFFFFF086  }
0x25: {  	[simem:s6], [sflag:s4] =	dma.local [hbm:s3], $0xF7A  }
0x26: {  	[smem:$0x3F9B] =	sst s1;
	(tag) =	ssettag s2;
	_ =	strace s9  }
0x27: {  	s1 =	sld [smem:$0x3FAB]  }
0x28: {  	s2 =	sld [smem:$0x3FAC]  }
0x29: {  	s4 =	sld [smem:$0x3FAE]  }
0x2a: {  	p0 =	seq.s32 s5, $0x0;
	s5 =	sld [smem:$0x3FAF]  }
0x2b: {  	s6 =	sld [smem:$0x3FB0]  }
0x2c: {  	s7 =	sld [smem:$0x3FB1]  }
0x2d: {  	s3 =	simm.s32 $0x108;
	s8 =	sld [smem:$0x3FB2]  }
0x2e: {  	s3 =	simm.s32 @!p0 $0x1082;
	s9 =	sld [smem:$0x3FB3]  }
0x2f: {  	lr =	sadd.s32 s0, s3;
	s0 =	sld [smem:$0x3FAA]  }
0x30: {  	s3 =	sld [smem:$0x3FAD]  }
0x31: {  	[smem:$0x3FB6] =	sst s10  }
0x32: {  	s10 =	sld [smem:$0x3FB4];
	_ =	sdelay $0x3  }
0x33: {  	p0 =	seq.s32 s10, $0x1;
	s10 =	sld [smem:$0x3FB6];
	_ =	sdelay $0x3  }
0x34: {  	[smem:$0x3FB6] =	sst s10  }
0x35: {  	s10 =	sld [smem:$0x3FB5];
	_ =	sdelay $0x3  }
0x36: {  	p1 =	seq.s32 s10, $0x1;
	s10 =	sld [smem:$0x3FB6];
	_ =	sdelay $0x3  }
0x37: {  	[smem:$0x3FB6] =	sst s10  }
0x38: {  	s10 =	sld [smem:$0x3FB7]  }
0x39: {  	_ = 	snop;
	(pc) =	sbr.ind lr, $3  }
0x3a: {  	_ = 	snop  }
0x3b: {  	_ = 	snop  }
0x3c: {  	p2 =	seq.s32 s10, $0x1;
	s10 =	sld [smem:$0x3FB6]  }
0x3d: {  	_ =	shalt  }
0x3e: {  	_ =	shalt  }
0x3f: {  	_ =	shalt  }
0x40: {  	_ =	shalt  }
0x41: {  	_ =	shalt  }
0x42: {  	_ =	shalt  }
0x43: {  	_ =	shalt  }
0x44: {  	_ =	shalt  }
0x45: {  	_ =	shalt  }
0x46: {  	_ =	shalt  }
0x47: {  	_ =	shalt  }
0x48: {  	_ =	shalt  }
0x49: {  	_ =	shalt  }
0x4a: {  	_ =	shalt  }
0x4b: {  	_ =	shalt  }
0x4c: {  	_ =	shalt  }
0x4d: {  	_ =	shalt  }
0x4e: {  	_ =	shalt  }
0x4f: {  	_ =	shalt  }
0x50: {  	_ =	shalt  }
0x51: {  	_ =	shalt  }
0x52: {  	_ =	shalt  }
0x53: {  	_ =	shalt  }
0x54: {  	_ =	shalt  }
0x55: {  	_ =	shalt  }
0x56: {  	_ =	shalt  }
0x57: {  	_ =	shalt  }
0x58: {  	_ =	shalt  }
0x59: {  	_ =	shalt  }
0x5a: {  	_ =	shalt  }
0x5b: {  	_ =	shalt  }
0x5c: {  	_ =	shalt  }
0x5d: {  	_ =	shalt  }
0x5e: {  	_ =	shalt  }
0x5f: {  	_ =	shalt  }
0x60: {  	_ =	shalt  }
0x61: {  	_ =	shalt  }
0x62: {  	_ =	shalt  }
0x63: {  	_ =	shalt  }
0x64: {  	_ =	shalt  }
0x65: {  	_ =	shalt  }
0x66: {  	_ =	shalt  }
0x67: {  	_ =	shalt  }
0x68: {  	_ =	shalt  }
0x69: {  	_ =	shalt  }
0x6a: {  	_ =	shalt  }
0x6b: {  	_ =	shalt  }
0x6c: {  	_ =	shalt  }
0x6d: {  	_ =	shalt  }
0x6e: {  	_ =	shalt  }
0x6f: {  	_ =	shalt  }
0x70: {  	_ =	shalt  }
0x71: {  	_ =	shalt  }
0x72: {  	_ =	shalt  }
0x73: {  	_ =	shalt  }
0x74: {  	_ =	shalt  }
0x75: {  	_ =	shalt  }
0x76: {  	_ =	shalt  }
0x77: {  	_ =	shalt  }
0x78: {  	_ =	shalt  }
0x79: {  	_ =	shalt  }
0x7a: {  	_ =	shalt  }
0x7b: {  	_ =	shalt  }
0x7c: {  	_ =	shalt  }
0x7d: {  	_ =	shalt  }
0x7e: {  	_ =	shalt  }
0x7f: {  	_ =	shalt  }
0x80: {  	_ =	shalt  }
0x81: {  	_ =	shalt  }
0x82: {  	_ =	shalt  }
0x83: {  	_ =	shalt  }
0x84: {  	_ =	shalt  }
0x85: {  	_ =	shalt  }
0x86: {  	_ =	shalt  }
0x87: {  	_ =	shalt  }
.Lfunc_end0:
.L_simem_size_0:
called_computation_lowered:
.L_overlay_start_0:
0x88: {  	s2 =	sld [smem:$0x3FD9]  }
0x89: {  	s3 =	sld [smem:$0x3FFE];
	_ =	sdelay $0x1  }
0x8a: {  	s1 =	srdreg.scid  }
0x8b: {  	s0 =	sand.u32 $0x1, s1  }
0x8c: {  	s17 =	sshll.u32 s0, $0xA;
	s2 =	sadd.s32 s3, s2  }
0x8d: {  	s2 =	sadd.s32 s2, s17  }
0x8e: {  	[smem:$0x3FC2] =	sst s2  }
0x8f: {  	_ = 	snop  }
0x90: {  	s2 =	sld [smem:$0x3FC9]  }
0x91: {  	s18 =	sld [smem:$0x3FC8]  }
0x92: {  	s4 =	sld [smem:$0x3FC7]  }
0x93: {  	s5 =	sld [smem:$0x3FD0];
	(tm) =	ssettm $0x1  }
0x94: {  	s6 =	sld [smem:$0x3FFB];
	_ =	sdelay $0x3  }
0x95: {  	_ =	strace s6  }
0x96: {  	s6 =	sld [smem:$0x3FFC];
	_ =	sdelay $0x3  }
0x97: {  	_ =	strace s6  }
0x98: {  	s6 =	sld [smem:$0x3FFD];
	_ =	sdelay $0x3  }
0x99: {  	_ =	strace s6  }
0x9a: {  	_ =	strace $0x8FFFFFFF  }
0x9b: {  	s19 =	sld [smem:$0x3FDB];
	_ =	sdelay $0x1  }
0x9c: {  	s7 =	simm.s32 $_scs_section_size  }
0x9d: {  	s8 =	simm.s32 $_size__tile_overlayer_lowered;
	s9 =	simm.s32 $_tile_overlayer_lowered  }
0x9e: {  	s22 =	simm.s32 $0x1BFF;
	s21 =	sshll.u32 s9, $0x1;
	s6 =	sadd.s32 s7, s19  }
0x9f: {  	s10 =	simm.s32 $0x0;
	s20 =	sshll.u32 s8, $0x1;
	s8 =	sadd.s32 s21, s6  }
0xa0: {  	[timem:s10], [sflag:s22] =	dma.local [hbm:s8], s20  }
0xa1: {  	_ =	swait.ge [sflag:s22], s20  }
0xa2: {  	s7 =	ssub.s32 $0x0, s20;
	[sflag:s22] =	ssyncset.done $0x0  }
0xa3: {  	[sflag:s22] =	ssyncadd.s32 s7;
	_ =	sdelay $0x1  }
0xa4: {  	s23 =	simm.s32 $0x1B8B  }
0xa5: {  	_ =	swait.ge [sflag:s23], $0x1  }
0xa6: {  	[sflag:s23] =	ssyncset.done $0x0  }
0xa7: {  	s25 =	simm.s32 $0x1B8E;
	s24 =	sld [smem:$0x3FFE];
	[sflag:s23] =	ssyncadd.s32 $0xFFFFFFFF  }
0xa8: {  	s26 =	simm.s32 $execute0_lowered;
	[smem:$0x3FD2] =	sst s25  }
0xa9: {  	s8 =	sshll.u32 s26, $0x1;
	_ =	strace $0x80000046;
	[dreg:$0x1] =	wrdreg $0xFFFFFFFF  }
0xaa: {  	s28 =	simm.s32 $_size_execute0_lowered;
	s6 =	sadd.s32 s6, s8;
	[dreg:$0x0] =	wrdreg $0x0  }
0xab: {  	s8 =	sshll.u32 s28, $0x1;
	[dreg:$0x2] =	wrdreg s6  }
0xac: {  	[dreg:$0x3] =	wrdreg s8  }
0xad: {  	[dreg:$0x4] =	wrdreg $0xC0  }
0xae: {  	_ =	task [dreg:s10], $0x5FFFF  }
0xaf: {  	[dreg:$0x1] =	wrdreg $0xFFFFFFFF  }
0xb0: {  	[dreg:$0x0] =	wrdreg $0x60  }
0xb1: {  	[dreg:$0x2] =	wrdreg s2  }
0xb2: {  	[dreg:$0x3] =	wrdreg s18  }
0xb3: {  	[dreg:$0x4] =	wrdreg s4  }
0xb4: {  	[dreg:$0x5] =	wrdreg s24  }
0xb5: {  	[dreg:$0x6] =	wrdreg s5  }
0xb6: {  	[dreg:$0x7] =	wrdreg $0x9  }
0xb7: {  	_ =	task.clear_ibuf [dreg:s10], $0x8FFFF;
	_ =	strace $0x90000046  }
0xb8: {  	s29 =	simm.s32 $0x9;
	_ =	strace $0x80000048  }
0xb9: {  	_ =	swait.ge [sflag:s29], $0x1  }
0xba: {  	[sflag:s29] =	ssyncadd.s32 $0xFFFFFFFF  }
0xbb: {  	_ =	strace $0x90000048  }
0xbc: {  	_ =	sfence  }
0xbd: {  	s30 =	sld [smem:$0x0];
	_ =	sdelay $0x2  }
0xbe: {  	s31 =	sshll.u32 s1, $0xD;
	s1 =	sshrl.u32 s1, $0x2  }
0xbf: {  	s3 =	sand.u32 $0x4000, s31;
	s1 =	sadd.s32 s1, s30  }
0xc0: {  	s0 =	sor.u32 s3, s0;
	s1 =	sshll.u32 s1, $0x11  }
0xc1: {  	s0 =	sor.u32 s1, s0  }
0xc2: {  	s0 =	sadd.s32 $0x8F2B, s0  }
0xc3: {  	[sflag:s0] =	ssyncadd.remote.s32 $0x1  }
0xc4: {  	_ =	sfence.sel $0xFFFF  }
0xc5: {  	[dreg:$0x0] =	wrdreg $0xFFFFFFFF;
	(pc) =	sbr.abs _section_cstart, $3  }
0xc6: {  	[dreg:$0x1] =	wrdreg $0xFFFFFFFF  }
0xc7: {  	_ =	task.clear_ibuf [dreg:s10], $0x2FFFF;
	_ =	strace $0x9FFFFFFF  }
0xc8: {  	(tm) =	ssettm $0x7FFFFFFF  }
0xc9: {  	_ =	shalt  }
tec
execute0_lowered:
.L_overlay_start_1:
0x0: {  	(tag) =	ssettag $0x1  }
0x1: {  	s5 =	rddreg [dreg:$0x0]  }
0x2: {  	s6 =	rddreg [dreg:$0x1]  }
0x3: {  	s7 =	rddreg [dreg:$0x2]  }
0x4: {  	s4 =	rddreg [dreg:$0x3]  }
0x5: {  	s8 =	rddreg [dreg:$0x4]  }
0x6: {  	s0 =	rddreg [dreg:$0x5]  }
0x7: {  	s1 =	simm.s32 $0x0;
	s9 =	srdreg.scid;
	s13 =	simm.s32 $0x1  }
0x8: {  	s14 =	simm.s32 $0x600;
	s15 =	simm.s32 $0x8600;
	s16 =	simm.s32 $0x10600  }
0x9: {  	s17 =	simm.s32 $0x18A00;
	s18 =	simm.s32 $0x0;
	[smem:$0x7FF] =	sst s1  }
0xa: {  	s2 =	sadd.s32 $0xF42600, s4;
	s3 =	sadd.s32 $0x16E3800, s4;
	s9 =	sand.u32 $0x1, s9  }
0xb: {  	_ =	strace $0x80000047;
	[dreg:$0x6] =	wrdreg s2;
	s2 =	stileid.u32  }
0xc: {  	s10 =	ssub.s32 $0x2, s9;
	s9 =	sshll.u32 s9, $0x6;
	s11 =	sshll.u32 s2, $0x7  }
0xd: {  	s4 =	sadd.s32 $0x200, s4;
	s12 =	sshrl.u32 s10, $0x1;
	s9 =	sor.u32 s9, s11  }
0xe: {  	s10 =	ssub.s32 s10, s12;
	s11 =	simm.s32 $0x18600;
	s12 =	simm.s32 $0x18800  }
0xf: {  	v0 =	vlaneseq.u32;
	s5 =	sadd.s32 s5, s9;
	s6 =	sadd.s32 s6, s9;
	s7 =	sadd.s32 s7, s9  }
0x10: {  	v0 =	vmul.u32 $0x40, v0;
	s8 =	sadd.s32 s8, s9;
	s9 =	smax.u32 s10, $0x1;
	s10 =	simm.s32 $0x2  }
.LBB2_1:
0x11: {  	[tilespmem:s1], [sflag:$0x2] =	stream.linear.gather [hbm4b:s5+s1], $0x200, $0x38;
	[tilespmem:$0x18C00] =	vst v63  }
0x12: {  	_ =	swait.ge [sflag:s10], $0x200  }
0x13: {  	[sflag:s10] =	ssyncset.done $0x0  }
0x14: {  	s19 =	simm.s32 $0x200;
	[sflag:s10] =	ssyncadd.s32 $0xFFFFFE00  }
0x15: {  	[tilespmem:s19], [sflag:$0x2] =	stream.linear.gather [hbm4b:s6+s1], $0x200, $0x38;
	[tilespmem:$0x18C00] =	vst v63  }
0x16: {  	_ =	swait.ge [sflag:s10], $0x200  }
0x17: {  	[sflag:s10] =	ssyncset.done $0x0  }
0x18: {  	s20 =	simm.s32 $0x400;
	[sflag:s10] =	ssyncadd.s32 $0xFFFFFE00  }
0x19: {  	[tilespmem:s20], [sflag:$0x2] =	stream.linear.gather [hbm4b:s7+s1], $0x200, $0x38;
	[tilespmem:$0x18C00] =	vst v63  }
0x1a: {  	_ =	swait.ge [sflag:s10], $0x200  }
0x1b: {  	[sflag:s10] =	ssyncset.done $0x0  }
0x1c: {  	[sflag:s10] =	ssyncadd.s32 $0xFFFFFE00  }
0x1d: {  	[tilespmem:s11], [sflag:$0x1] =	stream.indirect.gather [hbm4b:s4+s19], $0x1, s19, s19, $0xb8;
	[tilespmem:$0x18C00] =	vst v63  }
0x1e: {  	_ = 	snop  }
0x1f: {  	[tilespmem:s12], [sflag:$0x1] =	stream.indirect.gather [hbm4b:s4+s19], $0x1, s20, s19, $0xb8;
	[tilespmem:$0x18C00] =	vst v63  }
0x20: {  	v1 =	vld [tilespmem:s1+$0x0];
	_ =	sdelay $0x1  }
0x21: {  	v2 =	vld [tilespmem:s19+$0x0];
	_ =	sdelay $0x1  }
0x22: {  	v3 =	vld [tilespmem:s20+$0x0]  }
0x23: {  	v1 =	vshll.u32 v1, $0x6  }
0x24: {  	s26 =	rddreg [dreg:$0x6];
	v1 =	vshrl.u32 v1, $0x3  }
0x25: {  	v4 =	vshll.u32 v2, $0x6;
	v2 =	vadd.s32 s26, v1  }
0x26: {  	v1 =	vshrl.u32 v4, $0x3;
	(v2sf) =	vpush v2, $0x0  }
0x27: {  	v63 =	vshll.u32 v3, $0x6;
	v3 =	vadd.s32 s3, v1  }
0x28: {  	v1 =	vshrl.u32 v63, $0x3;
	(v2sf) =	vpush v3, $0x0  }
0x29: {  	v1 =	vadd.s32 s3, v1  }
0x2a: {  	(v2sf) =	vpush v1, $0x0;
	_ =	sdelay $0x1  }
0x2b: {  	(v2sf) =	vpush v2, $0x1;
	_ =	sdelay $0x1  }
0x2c: {  	(v2sf) =	vpush v3, $0x1;
	_ =	sdelay $0x1  }
0x2d: {  	(v2sf) =	vpush v1, $0x1;
	_ =	sdelay $0x1  }
0x2e: {  	(v2sf) =	vpush v2, $0x2;
	_ =	sdelay $0x1  }
0x2f: {  	(v2sf) =	vpush v3, $0x2  }
0x30: {  	s28 =	simm.s32 $0x600;
	s29 =	spop (v2sf)  }
0x31: {  	(v2sf) =	vpush v1, $0x2;
	[tilespmem:s28], [sflag:$0x1] =	stream.linear.gather [hbm4b:s29+s1], $0x40, $0x38;
	[tilespmem:$0x18C00] =	vst v63  }
0x32: {  	s30 =	simm.s32 $0x8600;
	s31 =	spop (v2sf);
	(v2sf) =	vpush v2, $0x3  }
0x33: {  	[tilespmem:s30], [sflag:$0x1] =	stream.linear.gather [hbm4b:s31+s1], $0x40, $0x38;
	[tilespmem:$0x18C00] =	vst v63  }
0x34: {  	s21 =	simm.s32 $0x10600;
	s22 =	spop (v2sf);
	(v2sf) =	vpush v3, $0x3  }
0x35: {  	[tilespmem:s21], [sflag:$0x1] =	stream.linear.gather [hbm4b:s22+s1], $0x40, $0x38;
	[tilespmem:$0x18C00] =	vst v63  }
0x36: {  	s23 =	simm.s32 $0x640;
	s24 =	spop (v2sf);
	(v2sf) =	vpush v1, $0x3  }
0x37: {  	[tilespmem:s23], [sflag:$0x1] =	stream.linear.gather [hbm4b:s24+s1], $0x40, $0x38;
	[tilespmem:$0x18C00] =	vst v63  }
0x38: {  	s25 =	simm.s32 $0x8640;
	s26 =	spop (v2sf);
	(v2sf) =	vpush v2, $0x4  }
0x39: {  	[tilespmem:s25], [sflag:$0x1] =	stream.linear.gather [hbm4b:s26+s1], $0x40, $0x38;
	[tilespmem:$0x18C00] =	vst v63  }
0x3a: {  	s28 =	simm.s32 $0x10640;
	s29 =	spop (v2sf);
	(v2sf) =	vpush v3, $0x4  }
0x3b: {  	[tilespmem:s28], [sflag:$0x1] =	stream.linear.gather [hbm4b:s29+s1], $0x40, $0x38;
	[tilespmem:$0x18C00] =	vst v63  }
0x3c: {  	s30 =	simm.s32 $0x680;
	s31 =	spop (v2sf);
	(v2sf) =	vpush v1, $0x4  }
0x3d: {  	[tilespmem:s30], [sflag:$0x1] =	stream.linear.gather [hbm4b:s31+s1], $0x40, $0x38;
	[tilespmem:$0x18C00] =	vst v63  }
0x3e: {  	s21 =	simm.s32 $0x8680;
	s22 =	spop (v2sf);
	(v2sf) =	vpush v2, $0x5  }
0x3f: {  	[tilespmem:s21], [sflag:$0x1] =	stream.linear.gather [hbm4b:s22+s1], $0x40, $0x38;
	[tilespmem:$0x18C00] =	vst v63  }
0x40: {  	s24 =	spop (v2sf);
	(v2sf) =	vpush v3, $0x5  }
0x41: {  	s23 =	simm.s32 $0x10680;
	s26 =	spop (v2sf)  }
0x42: {  	(v2sf) =	vpush v1, $0x5;
	[tilespmem:s23], [sflag:$0x1] =	stream.linear.gather [hbm4b:s24+s1], $0x40, $0x38;
	[tilespmem:$0x18C00] =	vst v63  }
0x43: {  	s25 =	simm.s32 $0x6C0;
	s29 =	spop (v2sf)  }
0x44: {  	(v2sf) =	vpush v2, $0x6;
	[tilespmem:s25], [sflag:$0x1] =	stream.linear.gather [hbm4b:s26+s1], $0x40, $0x38;
	[tilespmem:$0x18C00] =	vst v63  }
0x45: {  	s28 =	simm.s32 $0x86C0;
	s31 =	spop (v2sf)  }
0x46: {  	(v2sf) =	vpush v3, $0x6;
	[tilespmem:s28], [sflag:$0x1] =	stream.linear.gather [hbm4b:s29+s1], $0x40, $0x38;
	[tilespmem:$0x18C00] =	vst v63  }
0x47: {  	s30 =	simm.s32 $0x106C0;
	s22 =	spop (v2sf)  }
0x48: {  	(v2sf) =	vpush v1, $0x6;
	[tilespmem:s30], [sflag:$0x1] =	stream.linear.gather [hbm4b:s31+s1], $0x40, $0x38;
	[tilespmem:$0x18C00] =	vst v63  }
0x49: {  	s21 =	simm.s32 $0x700;
	s24 =	spop (v2sf)  }
0x4a: {  	(v2sf) =	vpush v2, $0x7;
	[tilespmem:s21], [sflag:$0x1] =	stream.linear.gather [hbm4b:s22+s1], $0x40, $0x38;
	[tilespmem:$0x18C00] =	vst v63  }
0x4b: {  	s23 =	simm.s32 $0x8700;
	s26 =	spop (v2sf)  }
0x4c: {  	(v2sf) =	vpush v3, $0x7;
	[tilespmem:s23], [sflag:$0x1] =	stream.linear.gather [hbm4b:s24+s1], $0x40, $0x38;
	[tilespmem:$0x18C00] =	vst v63  }
0x4d: {  	s25 =	simm.s32 $0x10700;
	s29 =	spop (v2sf)  }
0x4e: {  	(v2sf) =	vpush v1, $0x7;
	[tilespmem:s25], [sflag:$0x1] =	stream.linear.gather [hbm4b:s26+s1], $0x40, $0x38;
	[tilespmem:$0x18C00] =	vst v63  }
0x4f: {  	s28 =	simm.s32 $0x740;
	s31 =	spop (v2sf)  }
0x50: {  	(v2sf) =	vpush v2, $0x8;
	[tilespmem:s28], [sflag:$0x1] =	stream.linear.gather [hbm4b:s29+s1], $0x40, $0x38;
	[tilespmem:$0x18C00] =	vst v63  }
0x51: {  	s30 =	simm.s32 $0x8740;
	s22 =	spop (v2sf)  }
0x52: {  	(v2sf) =	vpush v3, $0x8;
	[tilespmem:s30], [sflag:$0x1] =	stream.linear.gather [hbm4b:s31+s1], $0x40, $0x38;
	[tilespmem:$0x18C00] =	vst v63  }
0x53: {  	s21 =	simm.s32 $0x10740;
	s24 =	spop (v2sf)  }
0x54: {  	(v2sf) =	vpush v1, $0x8;
	[tilespmem:s21], [sflag:$0x1] =	stream.linear.gather [hbm4b:s22+s1], $0x40, $0x38;
	[tilespmem:$0x18C00] =	vst v63  }
0x55: {  	s23 =	simm.s32 $0x780;
	s26 =	spop (v2sf)  }
0x56: {  	(v2sf) =	vpush v2, $0x9;
	[tilespmem:s23], [sflag:$0x1] =	stream.linear.gather [hbm4b:s24+s1], $0x40, $0x38;
	[tilespmem:$0x18C00] =	vst v63  }
0x57: {  	s25 =	simm.s32 $0x8780;
	s29 =	spop (v2sf)  }
0x58: {  	(v2sf) =	vpush v3, $0x9;
	[tilespmem:s25], [sflag:$0x1] =	stream.linear.gather [hbm4b:s26+s1], $0x40, $0x38;
	[tilespmem:$0x18C00] =	vst v63  }
0x59: {  	s28 =	simm.s32 $0x10780;
	s31 =	spop (v2sf)  }
0x5a: {  	(v2sf) =	vpush v1, $0x9;
	[tilespmem:s28], [sflag:$0x1] =	stream.linear.gather [hbm4b:s29+s1], $0x40, $0x38;
	[tilespmem:$0x18C00] =	vst v63  }
0x5b: {  	s30 =	simm.s32 $0x7C0;
	s22 =	spop (v2sf)  }
0x5c: {  	(v2sf) =	vpush v2, $0xA;
	[tilespmem:s30], [sflag:$0x1] =	stream.linear.gather [hbm4b:s31+s1], $0x40, $0x38;
	[tilespmem:$0x18C00] =	vst v63  }
0x5d: {  	s21 =	simm.s32 $0x87C0;
	s24 =	spop (v2sf)  }
0x5e: {  	(v2sf) =	vpush v3, $0xA;
	[tilespmem:s21], [sflag:$0x1] =	stream.linear.gather [hbm4b:s22+s1], $0x40, $0x38;
	[tilespmem:$0x18C00] =	vst v63  }
0x5f: {  	s23 =	simm.s32 $0x107C0;
	s26 =	spop (v2sf)  }
0x60: {  	(v2sf) =	vpush v1, $0xA;
	[tilespmem:s23], [sflag:$0x1] =	stream.linear.gather [hbm4b:s24+s1], $0x40, $0x38;
	[tilespmem:$0x18C00] =	vst v63  }
0x61: {  	s25 =	simm.s32 $0x800;
	s29 =	spop (v2sf)  }
0x62: {  	(v2sf) =	vpush v2, $0xB;
	[tilespmem:s25], [sflag:$0x1] =	stream.linear.gather [hbm4b:s26+s1], $0x40, $0x38;
	[tilespmem:$0x18C00] =	vst v63  }
0x63: {  	s28 =	simm.s32 $0x8800;
	s31 =	spop (v2sf)  }
0x64: {  	(v2sf) =	vpush v3, $0xB;
	[tilespmem:s28], [sflag:$0x1] =	stream.linear.gather [hbm4b:s29+s1], $0x40, $0x38;
	[tilespmem:$0x18C00] =	vst v63  }
0x65: {  	s30 =	simm.s32 $0x10800;
	s22 =	spop (v2sf)  }
0x66: {  	(v2sf) =	vpush v1, $0xB;
	[tilespmem:s30], [sflag:$0x1] =	stream.linear.gather [hbm4b:s31+s1], $0x40, $0x38;
	[tilespmem:$0x18C00] =	vst v63  }
0x67: {  	s21 =	simm.s32 $0x840;
	s24 =	spop (v2sf)  }
0x68: {  	(v2sf) =	vpush v2, $0xC;
	[tilespmem:s21], [sflag:$0x1] =	stream.linear.gather [hbm4b:s22+s1], $0x40, $0x38;
	[tilespmem:$0x18C00] =	vst v63  }
0x69: {  	s23 =	simm.s32 $0x8840;
	s26 =	spop (v2sf)  }
0x6a: {  	(v2sf) =	vpush v3, $0xC;
	[tilespmem:s23], [sflag:$0x1] =	stream.linear.gather [hbm4b:s24+s1], $0x40, $0x38;
	[tilespmem:$0x18C00] =	vst v63  }
0x6b: {  	s25 =	simm.s32 $0x10840;
	s29 =	spop (v2sf)  }
0x6c: {  	(v2sf) =	vpush v1, $0xC;
	[tilespmem:s25], [sflag:$0x1] =	stream.linear.gather [hbm4b:s26+s1], $0x40, $0x38;
	[tilespmem:$0x18C00] =	vst v63  }
0x6d: {  	s28 =	simm.s32 $0x880;
	s31 =	spop (v2sf)  }
0x6e: {  	(v2sf) =	vpush v2, $0xD;
	[tilespmem:s28], [sflag:$0x1] =	stream.linear.gather [hbm4b:s29+s1], $0x40, $0x38;
	[tilespmem:$0x18C00] =	vst v63  }
0x6f: {  	s30 =	simm.s32 $0x8880;
	s22 =	spop (v2sf)  }
0x70: {  	(v2sf) =	vpush v3, $0xD;
	[tilespmem:s30], [sflag:$0x1] =	stream.linear.gather [hbm4b:s31+s1], $0x40, $0x38;
	[tilespmem:$0x18C00] =	vst v63  }
0x71: {  	s21 =	simm.s32 $0x10880;
	s24 =	spop (v2sf)  }
0x72: {  	(v2sf) =	vpush v1, $0xD;
	[tilespmem:s21], [sflag:$0x1] =	stream.linear.gather [hbm4b:s22+s1], $0x40, $0x38;
	[tilespmem:$0x18C00] =	vst v63  }
0x73: {  	s23 =	simm.s32 $0x8C0;
	s26 =	spop (v2sf)  }
0x74: {  	(v2sf) =	vpush v2, $0xE;
	[tilespmem:s23], [sflag:$0x1] =	stream.linear.gather [hbm4b:s24+s1], $0x40, $0x38;
	[tilespmem:$0x18C00] =	vst v63  }
0x75: {  	s25 =	simm.s32 $0x88C0;
	s29 =	spop (v2sf)  }
0x76: {  	(v2sf) =	vpush v3, $0xE;
	[tilespmem:s25], [sflag:$0x1] =	stream.linear.gather [hbm4b:s26+s1], $0x40, $0x38;
	[tilespmem:$0x18C00] =	vst v63  }
0x77: {  	s28 =	simm.s32 $0x108C0;
	s31 =	spop (v2sf)  }
0x78: {  	(v2sf) =	vpush v1, $0xE;
	[tilespmem:s28], [sflag:$0x1] =	stream.linear.gather [hbm4b:s29+s1], $0x40, $0x38;
	[tilespmem:$0x18C00] =	vst v63  }
0x79: {  	s30 =	simm.s32 $0x900;
	s22 =	spop (v2sf)  }
0x7a: {  	(v2sf) =	vpush v2, $0xF;
	[tilespmem:s30], [sflag:$0x1] =	stream.linear.gather [hbm4b:s31+s1], $0x40, $0x38;
	[tilespmem:$0x18C00] =	vst v63  }
0x7b: {  	s21 =	simm.s32 $0x8900;
	s24 =	spop (v2sf)  }
0x7c: {  	(v2sf) =	vpush v3, $0xF;
	[tilespmem:s21], [sflag:$0x1] =	stream.linear.gather [hbm4b:s22+s1], $0x40, $0x38;
	[tilespmem:$0x18C00] =	vst v63  }
0x7d: {  	s23 =	simm.s32 $0x10900;
	s26 =	spop (v2sf)  }
0x7e: {  	(v2sf) =	vpush v1, $0xF;
	[tilespmem:s23], [sflag:$0x1] =	stream.linear.gather [hbm4b:s24+s1], $0x40, $0x38;
	[tilespmem:$0x18C00] =	vst v63  }
0x7f: {  	s25 =	simm.s32 $0x940;
	s29 =	spop (v2sf)  }
0x80: {  	[tilespmem:s25], [sflag:$0x1] =	stream.linear.gather [hbm4b:s26+s1], $0x40, $0x38;
	[tilespmem:$0x18C00] =	vst v63  }
0x81: {  	s28 =	simm.s32 $0x8940;
	s31 =	spop (v2sf)  }
0x82: {  	[tilespmem:s28], [sflag:$0x1] =	stream.linear.gather [hbm4b:s29+s1], $0x40, $0x38;
	[tilespmem:$0x18C00] =	vst v63  }
0x83: {  	s30 =	simm.s32 $0x10940;
	s22 =	spop (v2sf)  }
0x84: {  	[tilespmem:s30], [sflag:$0x1] =	stream.linear.gather [hbm4b:s31+s1], $0x40, $0x38;
	[tilespmem:$0x18C00] =	vst v63  }
0x85: {  	s19 =	simm.s32 $0x1000;
	s21 =	simm.s32 $0x980;
	s24 =	spop (v2sf)  }
0x86: {  	[tilespmem:s21], [sflag:$0x1] =	stream.linear.gather [hbm4b:s22+s1], $0x40, $0x38;
	[tilespmem:$0x18C00] =	vst v63  }
0x87: {  	s20 =	simm.s32 $0x410;
	s23 =	simm.s32 $0x8980;
	s26 =	spop (v2sf)  }
0x88: {  	[tilespmem:s23], [sflag:$0x1] =	stream.linear.gather [hbm4b:s24+s1], $0x40, $0x38;
	[tilespmem:$0x18C00] =	vst v63  }
0x89: {  	s25 =	simm.s32 $0x10980;
	s28 =	simm.s32 $0x9C0;
	s29 =	spop (v2sf)  }
0x8a: {  	[tilespmem:s25], [sflag:$0x1] =	stream.linear.gather [hbm4b:s26+s1], $0x40, $0x38;
	[tilespmem:$0x18C00] =	vst v63  }
0x8b: {  	s30 =	simm.s32 $0x89C0;
	s31 =	spop (v2sf);
	s21 =	simm.s32 $0x210  }
0x8c: {  	[tilespmem:s28], [sflag:$0x1] =	stream.linear.gather [hbm4b:s29+s1], $0x40, $0x38;
	[tilespmem:$0x18C00] =	vst v63  }
0x8d: {  	s22 =	simm.s32 $0x10;
	s23 =	simm.s32 $0x109C0;
	s24 =	spop (v2sf)  }
0x8e: {  	[tilespmem:s30], [sflag:$0x1] =	stream.linear.gather [hbm4b:s31+s1], $0x40, $0x38;
	[tilespmem:$0x18C00] =	vst v63  }
.LBB2_2:
0x8f: {  	[tilespmem:s23], [sflag:$0x1] =	stream.linear.gather [hbm4b:s24+s1], $0x40, $0x38;
	[tilespmem:$0x18C00] =	vst v63  }
0x90: {  	v1 =	vld [tilespmem:s22+$0x0];
	_ =	sdelay $0x1  }
0x91: {  	v2 =	vld [tilespmem:s21+$0x0];
	_ =	sdelay $0x1  }
0x92: {  	v3 =	vld [tilespmem:s20+$0x0]  }
0x93: {  	v1 =	vshll.u32 v1, $0x6  }
0x94: {  	s28 =	rddreg [dreg:$0x6];
	v1 =	vshrl.u32 v1, $0x3  }
0x95: {  	v4 =	vshll.u32 v2, $0x6;
	v2 =	vadd.s32 s28, v1  }
0x96: {  	v1 =	vshrl.u32 v4, $0x3;
	(v2sf) =	vpush v2, $0x0  }
0x97: {  	v63 =	vshll.u32 v3, $0x6;
	v3 =	vadd.s32 s3, v1  }
0x98: {  	v1 =	vshrl.u32 v63, $0x3;
	(v2sf) =	vpush v3, $0x0  }
0x99: {  	v1 =	vadd.s32 s3, v1  }
0x9a: {  	(v2sf) =	vpush v1, $0x0;
	_ =	sdelay $0x1  }
0x9b: {  	(v2sf) =	vpush v2, $0x1;
	_ =	sdelay $0x1  }
0x9c: {  	(v2sf) =	vpush v3, $0x1;
	_ =	sdelay $0x1  }
0x9d: {  	(v2sf) =	vpush v1, $0x1;
	_ =	sdelay $0x1  }
0x9e: {  	(v2sf) =	vpush v2, $0x2  }
0x9f: {  	s26 =	smov.u32 s19  }
0xa0: {  	s23 =	sshra.s32 s26, $0x2;
	(v2sf) =	vpush v3, $0x2  }
0xa1: {  	s29 =	sadd.s32 $0x600, s23;
	s25 =	spop (v2sf)  }
0xa2: {  	(v2sf) =	vpush v1, $0x2;
	[tilespmem:s29], [sflag:$0x1] =	stream.linear.gather [hbm4b:s25+s1], $0x40, $0x38;
	[tilespmem:$0x18C00] =	vst v63  }
0xa3: {  	s30 =	sadd.s32 $0x8600, s23;
	s31 =	spop (v2sf)  }
0xa4: {  	(v2sf) =	vpush v2, $0x3;
	[tilespmem:s30], [sflag:$0x1] =	stream.linear.gather [hbm4b:s31+s1], $0x40, $0x38;
	[tilespmem:$0x18C00] =	vst v63  }
0xa5: {  	s25 =	sadd.s32 $0x10600, s23;
	s26 =	spop (v2sf)  }
0xa6: {  	(v2sf) =	vpush v3, $0x3;
	[tilespmem:s25], [sflag:$0x1] =	stream.linear.gather [hbm4b:s26+s1], $0x40, $0x38;
	[tilespmem:$0x18C00] =	vst v63  }
0xa7: {  	s28 =	sadd.s32 $0x640, s23;
	s29 =	spop (v2sf)  }
0xa8: {  	(v2sf) =	vpush v1, $0x3;
	[tilespmem:s28], [sflag:$0x1] =	stream.linear.gather [hbm4b:s29+s1], $0x40, $0x38;
	[tilespmem:$0x18C00] =	vst v63  }
0xa9: {  	s30 =	sadd.s32 $0x8640, s23;
	s31 =	spop (v2sf)  }
0xaa: {  	(v2sf) =	vpush v2, $0x4;
	[tilespmem:s30], [sflag:$0x1] =	stream.linear.gather [hbm4b:s31+s1], $0x40, $0x38;
	[tilespmem:$0x18C00] =	vst v63  }
0xab: {  	s25 =	sadd.s32 $0x10640, s23;
	s26 =	spop (v2sf)  }
0xac: {  	(v2sf) =	vpush v3, $0x4;
	[tilespmem:s25], [sflag:$0x1] =	stream.linear.gather [hbm4b:s26+s1], $0x40, $0x38;
	[tilespmem:$0x18C00] =	vst v63  }
0xad: {  	s28 =	sadd.s32 $0x680, s23;
	s29 =	spop (v2sf)  }
0xae: {  	(v2sf) =	vpush v1, $0x4;
	[tilespmem:s28], [sflag:$0x1] =	stream.linear.gather [hbm4b:s29+s1], $0x40, $0x38;
	[tilespmem:$0x18C00] =	vst v63  }
0xaf: {  	s30 =	sadd.s32 $0x8680, s23;
	s31 =	spop (v2sf)  }
0xb0: {  	(v2sf) =	vpush v2, $0x5;
	[tilespmem:s30], [sflag:$0x1] =	stream.linear.gather [hbm4b:s31+s1], $0x40, $0x38;
	[tilespmem:$0x18C00] =	vst v63  }
0xb1: {  	s25 =	sadd.s32 $0x10680, s23;
	s26 =	spop (v2sf)  }
0xb2: {  	(v2sf) =	vpush v3, $0x5;
	[tilespmem:s25], [sflag:$0x1] =	stream.linear.gather [hbm4b:s26+s1], $0x40, $0x38;
	[tilespmem:$0x18C00] =	vst v63  }
0xb3: {  	s28 =	sadd.s32 $0x6C0, s23;
	s29 =	spop (v2sf)  }
0xb4: {  	(v2sf) =	vpush v1, $0x5;
	[tilespmem:s28], [sflag:$0x1] =	stream.linear.gather [hbm4b:s29+s1], $0x40, $0x38;
	[tilespmem:$0x18C00] =	vst v63  }
0xb5: {  	s30 =	sadd.s32 $0x86C0, s23;
	s31 =	spop (v2sf)  }
0xb6: {  	(v2sf) =	vpush v2, $0x6;
	[tilespmem:s30], [sflag:$0x1] =	stream.linear.gather [hbm4b:s31+s1], $0x40, $0x38;
	[tilespmem:$0x18C00] =	vst v63  }
0xb7: {  	s25 =	sadd.s32 $0x106C0, s23;
	s26 =	spop (v2sf)  }
0xb8: {  	(v2sf) =	vpush v3, $0x6;
	[tilespmem:s25], [sflag:$0x1] =	stream.linear.gather [hbm4b:s26+s1], $0x40, $0x38;
	[tilespmem:$0x18C00] =	vst v63  }
0xb9: {  	s28 =	sadd.s32 $0x700, s23;
	s29 =	spop (v2sf)  }
0xba: {  	(v2sf) =	vpush v1, $0x6;
	[tilespmem:s28], [sflag:$0x1] =	stream.linear.gather [hbm4b:s29+s1], $0x40, $0x38;
	[tilespmem:$0x18C00] =	vst v63  }
0xbb: {  	s30 =	sadd.s32 $0x8700, s23;
	s31 =	spop (v2sf)  }
0xbc: {  	(v2sf) =	vpush v2, $0x7;
	[tilespmem:s30], [sflag:$0x1] =	stream.linear.gather [hbm4b:s31+s1], $0x40, $0x38;
	[tilespmem:$0x18C00] =	vst v63  }
0xbd: {  	s25 =	sadd.s32 $0x10700, s23;
	s26 =	spop (v2sf)  }
0xbe: {  	(v2sf) =	vpush v3, $0x7;
	[tilespmem:s25], [sflag:$0x1] =	stream.linear.gather [hbm4b:s26+s1], $0x40, $0x38;
	[tilespmem:$0x18C00] =	vst v63  }
0xbf: {  	s28 =	sadd.s32 $0x740, s23;
	s29 =	spop (v2sf)  }
0xc0: {  	(v2sf) =	vpush v1, $0x7;
	[tilespmem:s28], [sflag:$0x1] =	stream.linear.gather [hbm4b:s29+s1], $0x40, $0x38;
	[tilespmem:$0x18C00] =	vst v63  }
0xc1: {  	s30 =	sadd.s32 $0x8740, s23;
	s31 =	spop (v2sf)  }
0xc2: {  	(v2sf) =	vpush v2, $0x8;
	[tilespmem:s30], [sflag:$0x1] =	stream.linear.gather [hbm4b:s31+s1], $0x40, $0x38;
	[tilespmem:$0x18C00] =	vst v63  }
0xc3: {  	s25 =	sadd.s32 $0x10740, s23;
	s26 =	spop (v2sf)  }
0xc4: {  	(v2sf) =	vpush v3, $0x8;
	[tilespmem:s25], [sflag:$0x1] =	stream.linear.gather [hbm4b:s26+s1], $0x40, $0x38;
	[tilespmem:$0x18C00] =	vst v63  }
0xc5: {  	s28 =	sadd.s32 $0x780, s23;
	s29 =	spop (v2sf)  }
0xc6: {  	(v2sf) =	vpush v1, $0x8;
	[tilespmem:s28], [sflag:$0x1] =	stream.linear.gather [hbm4b:s29+s1], $0x40, $0x38;
	[tilespmem:$0x18C00] =	vst v63  }
0xc7: {  	s30 =	sadd.s32 $0x8780, s23;
	s31 =	spop (v2sf)  }
0xc8: {  	(v2sf) =	vpush v2, $0x9;
	[tilespmem:s30], [sflag:$0x1] =	stream.linear.gather [hbm4b:s31+s1], $0x40, $0x38;
	[tilespmem:$0x18C00] =	vst v63  }
0xc9: {  	s25 =	sadd.s32 $0x10780, s23;
	s26 =	spop (v2sf)  }
0xca: {  	(v2sf) =	vpush v3, $0x9;
	[tilespmem:s25], [sflag:$0x1] =	stream.linear.gather [hbm4b:s26+s1], $0x40, $0x38;
	[tilespmem:$0x18C00] =	vst v63  }
0xcb: {  	s28 =	sadd.s32 $0x7C0, s23;
	s29 =	spop (v2sf)  }
0xcc: {  	(v2sf) =	vpush v1, $0x9;
	[tilespmem:s28], [sflag:$0x1] =	stream.linear.gather [hbm4b:s29+s1], $0x40, $0x38;
	[tilespmem:$0x18C00] =	vst v63  }
0xcd: {  	s30 =	sadd.s32 $0x87C0, s23;
	s31 =	spop (v2sf)  }
0xce: {  	(v2sf) =	vpush v2, $0xA;
	[tilespmem:s30], [sflag:$0x1] =	stream.linear.gather [hbm4b:s31+s1], $0x40, $0x38;
	[tilespmem:$0x18C00] =	vst v63  }
0xcf: {  	s25 =	sadd.s32 $0x107C0, s23;
	s26 =	spop (v2sf)  }
0xd0: {  	(v2sf) =	vpush v3, $0xA;
	[tilespmem:s25], [sflag:$0x1] =	stream.linear.gather [hbm4b:s26+s1], $0x40, $0x38;
	[tilespmem:$0x18C00] =	vst v63  }
0xd1: {  	s28 =	sadd.s32 $0x800, s23;
	s29 =	spop (v2sf)  }
0xd2: {  	(v2sf) =	vpush v1, $0xA;
	[tilespmem:s28], [sflag:$0x1] =	stream.linear.gather [hbm4b:s29+s1], $0x40, $0x38;
	[tilespmem:$0x18C00] =	vst v63  }
0xd3: {  	s30 =	sadd.s32 $0x8800, s23;
	s31 =	spop (v2sf)  }
0xd4: {  	(v2sf) =	vpush v2, $0xB;
	[tilespmem:s30], [sflag:$0x1] =	stream.linear.gather [hbm4b:s31+s1], $0x40, $0x38;
	[tilespmem:$0x18C00] =	vst v63  }
0xd5: {  	s25 =	sadd.s32 $0x10800, s23;
	s26 =	spop (v2sf)  }
0xd6: {  	(v2sf) =	vpush v3, $0xB;
	[tilespmem:s25], [sflag:$0x1] =	stream.linear.gather [hbm4b:s26+s1], $0x40, $0x38;
	[tilespmem:$0x18C00] =	vst v63  }
0xd7: {  	s28 =	sadd.s32 $0x840, s23;
	s29 =	spop (v2sf)  }
0xd8: {  	(v2sf) =	vpush v1, $0xB;
	[tilespmem:s28], [sflag:$0x1] =	stream.linear.gather [hbm4b:s29+s1], $0x40, $0x38;
	[tilespmem:$0x18C00] =	vst v63  }
0xd9: {  	s30 =	sadd.s32 $0x8840, s23;
	s31 =	spop (v2sf)  }
0xda: {  	(v2sf) =	vpush v2, $0xC;
	[tilespmem:s30], [sflag:$0x1] =	stream.linear.gather [hbm4b:s31+s1], $0x40, $0x38;
	[tilespmem:$0x18C00] =	vst v63  }
0xdb: {  	s25 =	sadd.s32 $0x10840, s23;
	s26 =	spop (v2sf)  }
0xdc: {  	(v2sf) =	vpush v3, $0xC;
	[tilespmem:s25], [sflag:$0x1] =	stream.linear.gather [hbm4b:s26+s1], $0x40, $0x38;
	[tilespmem:$0x18C00] =	vst v63  }
0xdd: {  	s28 =	sadd.s32 $0x880, s23;
	s29 =	spop (v2sf)  }
0xde: {  	(v2sf) =	vpush v1, $0xC;
	[tilespmem:s28], [sflag:$0x1] =	stream.linear.gather [hbm4b:s29+s1], $0x40, $0x38;
	[tilespmem:$0x18C00] =	vst v63  }
0xdf: {  	s30 =	sadd.s32 $0x8880, s23;
	s31 =	spop (v2sf)  }
0xe0: {  	(v2sf) =	vpush v2, $0xD;
	[tilespmem:s30], [sflag:$0x1] =	stream.linear.gather [hbm4b:s31+s1], $0x40, $0x38;
	[tilespmem:$0x18C00] =	vst v63  }
0xe1: {  	s25 =	sadd.s32 $0x10880, s23;
	s26 =	spop (v2sf)  }
0xe2: {  	(v2sf) =	vpush v3, $0xD;
	[tilespmem:s25], [sflag:$0x1] =	stream.linear.gather [hbm4b:s26+s1], $0x40, $0x38;
	[tilespmem:$0x18C00] =	vst v63  }
0xe3: {  	s28 =	sadd.s32 $0x8C0, s23;
	s29 =	spop (v2sf)  }
0xe4: {  	(v2sf) =	vpush v1, $0xD;
	[tilespmem:s28], [sflag:$0x1] =	stream.linear.gather [hbm4b:s29+s1], $0x40, $0x38;
	[tilespmem:$0x18C00] =	vst v63  }
0xe5: {  	s30 =	sadd.s32 $0x88C0, s23;
	s31 =	spop (v2sf)  }
0xe6: {  	(v2sf) =	vpush v2, $0xE;
	[tilespmem:s30], [sflag:$0x1] =	stream.linear.gather [hbm4b:s31+s1], $0x40, $0x38;
	[tilespmem:$0x18C00] =	vst v63  }
0xe7: {  	s25 =	sadd.s32 $0x108C0, s23;
	s26 =	spop (v2sf)  }
0xe8: {  	(v2sf) =	vpush v3, $0xE;
	[tilespmem:s25], [sflag:$0x1] =	stream.linear.gather [hbm4b:s26+s1], $0x40, $0x38;
	[tilespmem:$0x18C00] =	vst v63  }
0xe9: {  	s28 =	sadd.s32 $0x900, s23;
	s29 =	spop (v2sf)  }
0xea: {  	(v2sf) =	vpush v1, $0xE;
	[tilespmem:s28], [sflag:$0x1] =	stream.linear.gather [hbm4b:s29+s1], $0x40, $0x38;
	[tilespmem:$0x18C00] =	vst v63  }
0xeb: {  	s30 =	sadd.s32 $0x8900, s23;
	s31 =	spop (v2sf)  }
0xec: {  	(v2sf) =	vpush v2, $0xF;
	[tilespmem:s30], [sflag:$0x1] =	stream.linear.gather [hbm4b:s31+s1], $0x40, $0x38;
	[tilespmem:$0x18C00] =	vst v63  }
0xed: {  	s25 =	sadd.s32 $0x10900, s23;
	s26 =	spop (v2sf);
	(v2sf) =	vpush v3, $0xF  }
0xee: {  	[tilespmem:s25], [sflag:$0x1] =	stream.linear.gather [hbm4b:s26+s1], $0x40, $0x38;
	[tilespmem:$0x18C00] =	vst v63  }
0xef: {  	s28 =	sadd.s32 $0x940, s23;
	s29 =	spop (v2sf);
	(v2sf) =	vpush v1, $0xF  }
0xf0: {  	[tilespmem:s28], [sflag:$0x1] =	stream.linear.gather [hbm4b:s29+s1], $0x40, $0x38;
	[tilespmem:$0x18C00] =	vst v63  }
0xf1: {  	s30 =	sadd.s32 $0x8940, s23;
	s31 =	spop (v2sf)  }
0xf2: {  	[tilespmem:s30], [sflag:$0x1] =	stream.linear.gather [hbm4b:s31+s1], $0x40, $0x38;
	[tilespmem:$0x18C00] =	vst v63  }
0xf3: {  	s25 =	sadd.s32 $0x10940, s23;
	s26 =	spop (v2sf)  }
0xf4: {  	[tilespmem:s25], [sflag:$0x1] =	stream.linear.gather [hbm4b:s26+s1], $0x40, $0x38;
	[tilespmem:$0x18C00] =	vst v63  }
0xf5: {  	p0 =	sne.s32 s19, $0x1F000;
	s28 =	sadd.s32 $0x980, s23;
	s29 =	spop (v2sf)  }
0xf6: {  	[tilespmem:s28], [sflag:$0x1] =	stream.linear.gather [hbm4b:s29+s1], $0x40, $0x38;
	[tilespmem:$0x18C00] =	vst v63  }
0xf7: {  	s19 =	sadd.s32 $0x1000, s19;
	s30 =	sadd.s32 $0x8980, s23;
	s31 =	spop (v2sf)  }
0xf8: {  	[tilespmem:s30], [sflag:$0x1] =	stream.linear.gather [hbm4b:s31+s1], $0x40, $0x38;
	[tilespmem:$0x18C00] =	vst v63  }
0xf9: {  	s20 =	sadd.s32 $0x10, s20;
	s25 =	sadd.s32 $0x10980, s23;
	s26 =	spop (v2sf)  }
0xfa: {  	[tilespmem:s25], [sflag:$0x1] =	stream.linear.gather [hbm4b:s26+s1], $0x40, $0x38;
	[tilespmem:$0x18C00] =	vst v63  }
.Ltmp0:
0xfb: {  	s21 =	sadd.s32 $0x10, s21;
	s29 =	spop (v2sf);
	(pc) =	sbr.rel @p0 .LBB2_2-.Ltmp0, $4  }
0xfc: {  	s22 =	sadd.s32 $0x10, s22;
	s28 =	sadd.s32 $0x9C0, s23;
	s31 =	spop (v2sf)  }
0xfd: {  	[tilespmem:s28], [sflag:$0x1] =	stream.linear.gather [hbm4b:s29+s1], $0x40, $0x38;
	[tilespmem:$0x18C00] =	vst v63  }
0xfe: {  	s30 =	sadd.s32 $0x89C0, s23;
	s23 =	sadd.s32 $0x109C0, s23;
	s24 =	spop (v2sf)  }
0xff: {  	[tilespmem:s30], [sflag:$0x1] =	stream.linear.gather [hbm4b:s31+s1], $0x40, $0x38;
	[tilespmem:$0x18C00] =	vst v63  }
0x100: {  	[tilespmem:s23], [sflag:$0x1] =	stream.linear.gather [hbm4b:s24+s1], $0x40, $0x38;
	[tilespmem:$0x18C00] =	vst v63  }
0x101: {  	_ =	swait.ge [sflag:s13], $0x8000  }
0x102: {  	[sflag:s13] =	ssyncset.done $0x0  }
0x103: {  	[sflag:s13] =	ssyncadd.s32 $0xFFFF8000  }
0x104: {  	_ =	swait.ge [sflag:s13], $0x8000  }
0x105: {  	[sflag:s13] =	ssyncset.done $0x0  }
0x106: {  	[sflag:s13] =	ssyncadd.s32 $0xFFFF8000  }
0x107: {  	_ =	swait.ge [sflag:s13], $0x8000  }
0x108: {  	[sflag:s13] =	ssyncset.done $0x0  }
0x109: {  	[sflag:s13] =	ssyncadd.s32 $0xFFFF8000  }
0x10a: {  	_ =	swait.ge [sflag:s13], $0x200  }
0x10b: {  	[sflag:s13] =	ssyncset.done $0x0  }
0x10c: {  	[sflag:s13] =	ssyncadd.s32 $0xFFFFFE00  }
0x10d: {  	_ =	swait.ge [sflag:s13], $0x200  }
0x10e: {  	[sflag:s13] =	ssyncset.done $0x0  }
0x10f: {  	s19 =	simm.s32 $0x0;
	s20 =	simm.s32 $0x0;
	[sflag:s13] =	ssyncadd.s32 $0xFFFFFE00  }
.LBB2_4:
0x110: {  	s21 =	sshll.u32 s20, $0x4  }
0x111: {  	v1 =	vmov s21  }
0x112: {  	v1 =	vshll.u32 v1, $0x6  }
0x113: {  	v1 =	vor.u32 v0, v1  }
0x114: {  	v2 =	vor.u32 s19, v1;
	_ =	sdelay $0x1  }
0x115: {  	s22 =	simm.s32 $0x6  }
0x116: {  	s29 =	simm.s32 $0x5;
	v4 =	vld [tilespmem:s21+$0x18600];
	v5 =	vor.u32 s22, v1  }
0x117: {  	s23 =	simm.s32 $0x4;
	v6 =	vld [tilespmem:s21+$0x18800];
	v7 =	vor.u32 s29, v1  }
0x118: {  	s30 =	simm.s32 $0x3;
	v9 =	vor.u32 s23, v1;
	v8 =	vld.idx.msk [tilespmem:v2+s14+$0x0], $0xffff  }
0x119: {  	s31 =	simm.s32 $0x2;
	v11 =	vor.u32 s30, v1;
	v10 =	vld.idx.msk [tilespmem:v2+s15+$0x0], $0xffff  }
0x11a: {  	s24 =	simm.s32 $0x1;
	v12 =	vor.u32 s31, v1;
	v2 =	vld.idx.msk [tilespmem:v2+s16+$0x0], $0xffff  }
0x11b: {  	v13 =	vor.u32 s24, v1;
	v3 =	vld.idx.msk [tilespmem:v5+s14+$0x0], $0xffff  }
0x11c: {  	v15 =	vld.idx.msk [tilespmem:v7+s14+$0x0], $0xffff  }
0x11d: {  	v14 =	vld.idx.msk [tilespmem:v9+s14+$0x0], $0xffff  }
0x11e: {  	v16 =	vld.idx.msk [tilespmem:v11+s14+$0x0], $0xffff  }
0x11f: {  	v17 =	vld.idx.msk [tilespmem:v12+s14+$0x0], $0xffff  }
0x120: {  	v18 =	vld.idx.msk [tilespmem:v13+s14+$0x0], $0xffff  }
0x121: {  	v19 =	vld.idx.msk [tilespmem:v13+s15+$0x0], $0xffff  }
0x122: {  	v13 =	vld.idx.msk [tilespmem:v13+s16+$0x0], $0xffff  }
0x123: {  	v20 =	vld.idx.msk [tilespmem:v12+s15+$0x0], $0xffff  }
0x124: {  	v12 =	vld.idx.msk [tilespmem:v12+s16+$0x0], $0xffff  }
0x125: {  	v21 =	vld.idx.msk [tilespmem:v11+s15+$0x0], $0xffff;
	v2 =	vsub.f32 v10, v2  }
0x126: {  	v10 =	vld.idx.msk [tilespmem:v11+s16+$0x0], $0xffff  }
0x127: {  	s25 =	simm.s32 $0x7;
	v4 =	vsub.f32 v4, v6;
	v6 =	vld.idx.msk [tilespmem:v9+s15+$0x0], $0xffff;
	v2 =	vmul.f32 v2, v8;
	v8 =	vsub.f32 v19, v13  }
0x128: {  	v9 =	vld.idx.msk [tilespmem:v9+s16+$0x0], $0xffff;
	v13 =	vor.u32 s25, v1  }
0x129: {  	s22 =	simm.s32 $0x8;
	v22 =	vld.idx.msk [tilespmem:v7+s15+$0x0], $0xffff;
	v2 =	vadd.f32 v2, v4;
	v4 =	vmul.f32 v8, v18;
	v8 =	vsub.f32 v20, v12  }
0x12a: {  	v19 =	vor.u32 s22, v1;
	v12 =	vld.idx.msk [tilespmem:v7+s16+$0x0], $0xffff  }
0x12b: {  	v18 =	vld.idx.msk [tilespmem:v5+s15+$0x0], $0xffff;
	v10 =	vsub.f32 v21, v10;
	v4 =	vadd.f32 v4, v2;
	v8 =	vmul.f32 v8, v17  }
0x12c: {  	v20 =	vld.idx.msk [tilespmem:v5+s16+$0x0], $0xffff  }
0x12d: {  	s26 =	simm.s32 $0xE;
	v7 =	vld.idx.msk [tilespmem:v13+s15+$0x0], $0xffff;
	v4 =	vadd.f32 v8, v4;
	v8 =	vmul.f32 v10, v16  }
0x12e: {  	s24 =	simm.s32 $0xD;
	v6 =	vsub.f32 v6, v9;
	v2 =	vor.u32 s26, v1;
	v11 =	vld.idx.msk [tilespmem:v13+s16+$0x0], $0xffff  }
0x12f: {  	s28 =	simm.s32 $0xC;
	v5 =	vld.idx.msk [tilespmem:v19+s14+$0x0], $0xffff;
	v8 =	vadd.f32 v8, v4;
	v4 =	vor.u32 s24, v1  }
0x130: {  	s29 =	simm.s32 $0xA;
	s30 =	simm.s32 $0xB;
	v9 =	vld.idx.msk [tilespmem:v19+s15+$0x0], $0xffff;
	v16 =	vmul.f32 v6, v14;
	v6 =	vor.u32 s28, v1;
	v17 =	vsub.f32 v22, v12  }
0x131: {  	v14 =	vld.idx.msk [tilespmem:v13+s14+$0x0], $0xffff;
	v13 =	vor.u32 s29, v1;
	v10 =	vor.u32 s30, v1  }
0x132: {  	s31 =	simm.s32 $0x9;
	v12 =	vld.idx.msk [tilespmem:v19+s16+$0x0], $0xffff;
	v18 =	vsub.f32 v18, v20;
	v17 =	vmul.f32 v17, v15;
	v16 =	vadd.f32 v16, v8  }
0x133: {  	s23 =	simm.s32 $0x10;
	v15 =	vor.u32 s31, v1;
	v8 =	vld.idx.msk [tilespmem:v2+s14+$0x0], $0xffff  }
.LBB2_5:
0x134: {  	p0 =	slt.u32 s23, $0x38;
	v19 =	vld.idx.msk [tilespmem:v4+s14+$0x0], $0xffff;
	v16 =	vadd.f32 v17, v16;
	v3 =	vmul.f32 v18, v3;
	v7 =	vsub.f32 v7, v11  }
0x135: {  	v17 =	vld.idx.msk [tilespmem:v6+s14+$0x0], $0xffff  }
0x136: {  	v11 =	vld.idx.msk [tilespmem:v10+s14+$0x0], $0xffff;
	v20 =	vadd.f32 v3, v16;
	v7 =	vmul.f32 v7, v14  }
0x137: {  	v14 =	vld.idx.msk [tilespmem:v13+s14+$0x0], $0xffff  }
0x138: {  	v16 =	vld.idx.msk [tilespmem:v15+s14+$0x0], $0xffff;
	v7 =	vadd.f32 v7, v20  }
0x139: {  	v3 =	vmov v8;
	v18 =	vld.idx.msk [tilespmem:v15+s15+$0x0], $0xffff  }
0x13a: {  	v8 =	vld.idx.msk [tilespmem:v15+s16+$0x0], $0xffff  }
0x13b: {  	v15 =	vld.idx.msk [tilespmem:v13+s15+$0x0], $0xffff  }
0x13c: {  	v13 =	vld.idx.msk [tilespmem:v13+s16+$0x0], $0xffff  }
0x13d: {  	v20 =	vld.idx.msk [tilespmem:v10+s15+$0x0], $0xffff  }
0x13e: {  	v9 =	vsub.f32 v9, v12;
	v10 =	vld.idx.msk [tilespmem:v10+s16+$0x0], $0xffff  }
0x13f: {  	s24 =	sadd.s32 $0x7, s22;
	s22 =	smov.u32 s23;
	v12 =	vld.idx.msk [tilespmem:v6+s15+$0x0], $0xffff  }
0x140: {  	v5 =	vmul.f32 v9, v5;
	v9 =	vor.u32 s24, v1;
	v8 =	vsub.f32 v18, v8;
	v6 =	vld.idx.msk [tilespmem:v6+s16+$0x0], $0xffff  }
0x141: {  	v18 =	vor.u32 s23, v1;
	v21 =	vld.idx.msk [tilespmem:v4+s15+$0x0], $0xffff  }
0x142: {  	v5 =	vadd.f32 v5, v7;
	v7 =	vmul.f32 v8, v16;
	v8 =	vsub.f32 v15, v13;
	v13 =	vld.idx.msk [tilespmem:v4+s16+$0x0], $0xffff  }
0x143: {  	v15 =	vld.idx.msk [tilespmem:v2+s15+$0x0], $0xffff  }
0x144: {  	s24 =	sadd.s32 $0x6, s23;
	v4 =	vadd.f32 v7, v5;
	v5 =	vmul.f32 v8, v14;
	v8 =	vsub.f32 v20, v10;
	v20 =	vld.idx.msk [tilespmem:v2+s16+$0x0], $0xffff  }
0x145: {  	v2 =	vor.u32 s24, v1;
	v7 =	vld.idx.msk [tilespmem:v9+s15+$0x0], $0xffff  }
0x146: {  	s25 =	sadd.s32 $0x5, s23;
	s24 =	sadd.s32 $0x4, s23;
	v10 =	vadd.f32 v5, v4;
	v8 =	vmul.f32 v8, v11;
	v12 =	vsub.f32 v12, v6;
	v11 =	vld.idx.msk [tilespmem:v9+s16+$0x0], $0xffff  }
.Ltmp1:
0x147: {  	v6 =	vor.u32 s24, v1;
	v4 =	vor.u32 s25, v1;
	v5 =	vld.idx.msk [tilespmem:v18+s14+$0x0], $0xffff;
	(pc) =	sbr.rel @p0 .LBB2_5-.Ltmp1, $4  }
0x148: {  	s24 =	sadd.s32 $0x2, s23;
	s25 =	sadd.s32 $0x3, s23;
	v8 =	vadd.f32 v8, v10;
	v16 =	vmul.f32 v12, v17;
	v17 =	vsub.f32 v21, v13;
	v14 =	vld.idx.msk [tilespmem:v9+s14+$0x0], $0xffff  }
0x149: {  	v13 =	vor.u32 s24, v1;
	v10 =	vor.u32 s25, v1;
	v9 =	vld.idx.msk [tilespmem:v18+s15+$0x0], $0xffff  }
0x14a: {  	s24 =	sadd.s32 $0x1, s23;
	v16 =	vadd.f32 v16, v8;
	v17 =	vmul.f32 v17, v19;
	v12 =	vld.idx.msk [tilespmem:v18+s16+$0x0], $0xffff;
	v18 =	vsub.f32 v15, v20  }
0x14b: {  	s23 =	sadd.s32 $0x8, s23;
	v15 =	vor.u32 s24, v1;
	v8 =	vld.idx.msk [tilespmem:v2+s14+$0x0], $0xffff  }
0x14c: {  	_ =	sdelay $0x3  }
0x14d: {  	v19 =	vld.idx.msk [tilespmem:v4+s14+$0x0], $0xffff  }
0x14e: {  	v20 =	vld.idx.msk [tilespmem:v6+s14+$0x0], $0xffff  }
0x14f: {  	v21 =	vld.idx.msk [tilespmem:v10+s14+$0x0], $0xffff  }
0x150: {  	v22 =	vld.idx.msk [tilespmem:v13+s14+$0x0], $0xffff  }
0x151: {  	v23 =	vld.idx.msk [tilespmem:v15+s14+$0x0], $0xffff  }
0x152: {  	v24 =	vld.idx.msk [tilespmem:v15+s15+$0x0], $0xffff  }
0x153: {  	v44 =	vld.idx.msk [tilespmem:v15+s16+$0x0], $0xffff  }
0x154: {  	v16 =	vadd.f32 v17, v16;
	v3 =	vmul.f32 v18, v3;
	v7 =	vsub.f32 v7, v11;
	v45 =	vld.idx.msk [tilespmem:v13+s15+$0x0], $0xffff  }
0x155: {  	v46 =	vld.idx.msk [tilespmem:v13+s16+$0x0], $0xffff  }
0x156: {  	v47 =	vld.idx.msk [tilespmem:v10+s15+$0x0], $0xffff;
	v3 =	vadd.f32 v3, v16;
	v7 =	vmul.f32 v7, v14;
	v9 =	vsub.f32 v9, v12  }
0x157: {  	v48 =	vld.idx.msk [tilespmem:v10+s16+$0x0], $0xffff  }
0x158: {  	v49 =	vld.idx.msk [tilespmem:v6+s15+$0x0], $0xffff;
	s22 =	sadd.s32 $0x7, s22;
	v3 =	vadd.f32 v7, v3;
	v5 =	vmul.f32 v9, v5;
	v50 =	vsub.f32 v24, v44  }
0x159: {  	v51 =	vld.idx.msk [tilespmem:v6+s16+$0x0], $0xffff;
	v1 =	vor.u32 s22, v1  }
0x15a: {  	v52 =	vld.idx.msk [tilespmem:v4+s15+$0x0], $0xffff;
	v54 =	vsub.f32 v45, v46;
	v3 =	vadd.f32 v5, v3;
	v53 =	vmul.f32 v50, v23  }
0x15b: {  	v55 =	vld.idx.msk [tilespmem:v4+s16+$0x0], $0xffff  }
0x15c: {  	v56 =	vld.idx.msk [tilespmem:v2+s15+$0x0], $0xffff;
	v58 =	vsub.f32 v47, v48;
	v57 =	vmul.f32 v54, v22;
	v3 =	vadd.f32 v53, v3  }
0x15d: {  	v2 =	vld.idx.msk [tilespmem:v2+s16+$0x0], $0xffff  }
0x15e: {  	v6 =	vsub.f32 v49, v51;
	v59 =	vld.idx.msk [tilespmem:v1+s15+$0x0], $0xffff;
	v60 =	vmul.f32 v58, v21;
	v3 =	vadd.f32 v57, v3  }
0x15f: {  	v61 =	vld.idx.msk [tilespmem:v1+s16+$0x0], $0xffff  }
0x160: {  	v4 =	vsub.f32 v52, v55;
	v62 =	vmul.f32 v6, v20;
	v3 =	vadd.f32 v60, v3  }
0x161: {  	v1 =	vld.idx.msk [tilespmem:v1+s14+$0x0], $0xffff  }
0x162: {  	v2 =	vsub.f32 v56, v2;
	v4 =	vmul.f32 v4, v19;
	v3 =	vadd.f32 v62, v3;
	_ =	sdelay $0x1  }
0x163: {  	s20 =	sadd.s32 $0x1, s20;
	v2 =	vmul.f32 v2, v8;
	v63 =	vsub.f32 v59, v61;
	v3 =	vadd.f32 v4, v3  }
0x164: {  	p0 =	sne.s32 s20, $0x20  }
.Ltmp2:
0x165: {  	v1 =	vmul.f32 v63, v1;
	v2 =	vadd.f32 v2, v3;
	(pc) =	sbr.rel @p0 .LBB2_4-.Ltmp2, $3  }
0x166: {  	_ = 	snop  }
0x167: {  	v1 =	vadd.f32 v1, v2;
	_ =	sdelay $0x1  }
0x168: {  	[tilespmem:s21+$0x18A00] =	vst v1  }
0x169: {  	s18 =	sadd.s32 $0x1, s18  }
0x16a: {  	p0 =	sne.s32 s18, s9  }
.Ltmp3:
0x16b: {  	_ = 	snop;
	(pc) =	sbr.rel @p0 .LBB2_1-.Ltmp3, $4  }
0x16c: {  	[hbm4b:s8+s1] =	stream.linear.scatter [tilespmem:s17], [sflag:$0x2], $0x200, $0x38;
	[tilespmem:$0x18C00] =	vst v63  }
0x16d: {  	_ =	swait.ge [sflag:s10], $0x200  }
0x16e: {  	[sflag:s10] =	ssyncset.done $0x0  }
0x16f: {  	[sflag:s10] =	ssyncadd.s32 $0xFFFFFE00  }
0x170: {  	_ =	sfence.sel $0x180000  }
0x171: {  	[bflag:$0x0] =	sbarrier.arrive $0xFFFF  }
0x172: {  	p0 =	sne.s32 s2, $0x0;
	_ =	strace $0x90000047  }
0x173: {  	s0 =	sadd.s32 @!p0 $0x100000, s0;
	[bflag:$0x2] =	sbarrier.arrive $0xFFFF  }
0x174: {  	[sflag:s0] =	ssyncadd.tile.s32 @!p0 $0x1;
	_ =	shalt  }
.Lfunc_end2:
_tile_overlayer_lowered:
.L_overlay_start_2:
0x175: {  	(tag) =	ssettag $0x2  }
0x176: {  	s0 =	rddreg [dreg:$0x0];
	s2 =	stileid.u32  }
0x177: {  	s1 =	rddreg [dreg:$0x1];
	p0 =	sne.s32 s2, $0x0  }
0x178: {  	s3 =	rddreg [dreg:$0x2];
	[bflag:$0x3] =	sbarrier.arrive $0xFFFF;
	s2 =	simm.s32 @!p0 $0x1C02  }
0x179: {  	[timem:s3], [sflag:s2] =	dma.local @!p0 [hbm:s0], s1  }
0x17a: {  	s0 =	simm.s32 @!p0 $0x2  }
0x17b: {  	_ =	swait.ge @!p0 [sflag:s0], s1  }
0x17c: {  	s1 =	ssub.s32 @!p0 $0x0, s1;
	[sflag:s0] =	ssyncset.done @!p0 $0x0  }
0x17d: {  	[sflag:s0] =	ssyncadd.s32 @!p0 s1  }
0x17e: {  	[bflag:$0x3] =	sbarrier.arrive $0xFFFF  }
0x17f: {  	_ =	shalt  }

</sc_bundles>
